<compile_context>
chip_gen: v7x
topology: tpu7x:2x2x1
jax: 0.10.2.dev20260603
libtpu: 0.0.44.dev20260713+nightly
codegen_flags: <defaults>
</compile_context>

<pallas_src>
import functools

import jax
import jax.numpy as jnp
from jax import lax
from jax.experimental import pallas as pl
from jax.experimental.pallas import tpu as pltpu
from jax.experimental.pallas import tpu_sc as plsc

NUM_CORES = 2
NUM_SUBCORES = 16
NUM_WORKERS = NUM_CORES * NUM_SUBCORES
EDGE_BATCH = 80
LANES = 16


def _elu(v):
    return jnp.where(v > 0, v, jnp.exp(v) - 1.0)


def _dot_t(a, w):
    return lax.dot_general(a, w, dimension_numbers=(((1,), (1,)), ((), ())),
                           preferred_element_type=jnp.float32)


def _make_seg_sum(n_rows_tbl, width, n_pad, n_edges_total, with_deg):
    ept = n_edges_total // NUM_WORKERS
    assert ept * NUM_WORKERS == n_edges_total
    assert ept % EDGE_BATCH == 0
    nb = ept // EDGE_BATCH
    rpt = n_pad // NUM_SUBCORES
    assert rpt * NUM_SUBCORES == n_pad
    assert rpt % 128 == 0

    mesh = plsc.VectorSubcoreMesh(core_axis_name="c", subcore_axis_name="s")

    out_type = [jax.ShapeDtypeStruct((NUM_WORKERS, rpt, width), jnp.float32)]
    scratch = [
        pltpu.VMEM((EDGE_BATCH,), jnp.int32),
        pltpu.VMEM((EDGE_BATCH,), jnp.int32),
        pltpu.VMEM((EDGE_BATCH, width), jnp.float32),
        pltpu.VMEM_SHARED((n_pad, width), jnp.float32),
        pltpu.SemaphoreType.DMA,
    ]
    if with_deg:
        out_type.append(jax.ShapeDtypeStruct((NUM_WORKERS, rpt), jnp.float32))
        scratch += [
            pltpu.VMEM((EDGE_BATCH,), jnp.float32),
            pltpu.VMEM_SHARED((n_pad,), jnp.float32),
            pltpu.VMEM((rpt,), jnp.float32),
        ]

    @functools.partial(pl.kernel, mesh=mesh, out_type=out_type,
                       scratch_types=scratch)
    def seg(tbl, srcr, dstr, z, out, *rest):
        if with_deg:
            deg_out, src_v, dst_v, rows_v, acc, sem, ones_v, dacc, zrow_v = rest
        else:
            src_v, dst_v, rows_v, acc, sem = rest
        c = lax.axis_index("c")
        s = lax.axis_index("s")
        wid = c * NUM_SUBCORES + s

        pltpu.sync_copy(z.at[pl.ds(s * rpt, rpt)], acc.at[pl.ds(s * rpt, rpt)])
        if with_deg:
            for j in range(EDGE_BATCH // LANES):
                ones_v[pl.ds(j * LANES, LANES)] = jnp.ones((LANES,), jnp.float32)
            for j in range(rpt // LANES):
                zrow_v[pl.ds(j * LANES, LANES)] = jnp.zeros((LANES,), jnp.float32)
            pltpu.sync_copy(zrow_v, dacc.at[pl.ds(s * rpt, rpt)])
        plsc.subcore_barrier()

        ebase = wid * ept

        def body(i, carry):
            off = ebase + i * EDGE_BATCH
            pltpu.sync_copy(srcr.at[pl.ds(off, EDGE_BATCH)], src_v)
            pltpu.sync_copy(dstr.at[pl.ds(off, EDGE_BATCH)], dst_v)
            pltpu.async_copy(tbl.at[src_v], rows_v, sem).wait()
            pltpu.sync_copy(rows_v, acc.at[dst_v], add=True)
            if with_deg:
                pltpu.sync_copy(ones_v, dacc.at[dst_v], add=True)
            return carry

        lax.fori_loop(0, nb, body, 0)

        plsc.subcore_barrier()
        pltpu.sync_copy(acc.at[pl.ds(s * rpt, rpt)], out.at[wid])
        if with_deg:
            pltpu.sync_copy(dacc.at[pl.ds(s * rpt, rpt)], deg_out.at[wid])

    return seg


def _dense1_body(x_ref, p0_ref, p1_ref, d0_ref, d1_ref, wl1_ref, bl1_ref,
                 wr1_ref, wl2_ref, wr2_ref, bl2_ref, g_ref, r_ref, dinv_ref):
    deg = d0_ref[...] + d1_ref[...]
    dinv = 1.0 / jnp.maximum(deg, 1.0)
    agg = (p0_ref[...] + p1_ref[...]) * dinv
    out = _dot_t(agg, wl1_ref[...]) + bl1_ref[...] + _dot_t(x_ref[...], wr1_ref[...])
    nrm = jnp.sqrt(jnp.sum(out * out, axis=1, keepdims=True))
    h = _elu(out / jnp.maximum(nrm, 1e-12))
    g = _dot_t(h, wl2_ref[...])
    r = _dot_t(h, wr2_ref[...]) + bl2_ref[...]
    g_ref[...] = jnp.stack([g[:, :128], g[:, 128:]], axis=0)
    r_ref[...] = r
    dinv_ref[...] = dinv


def _dense2_body(a0_ref, a1_ref, dinv_ref, r_ref, wfc_ref, bfc_ref,
                 y_ref, acc_ref):
    i = pl.program_id(0)
    n_i = pl.num_programs(0)
    a = jnp.concatenate([a0_ref[...], a1_ref[...]], axis=1)
    out = a * dinv_ref[...] + r_ref[...]
    nrm = jnp.sqrt(jnp.sum(out * out, axis=1, keepdims=True))
    h2 = _elu(out / jnp.maximum(nrm, 1e-12))
    bm = jnp.max(h2, axis=0, keepdims=True)

    @pl.when(i == 0)
    def _():
        acc_ref[...] = jnp.broadcast_to(bm, acc_ref.shape)

    @pl.when(i > 0)
    def _():
        acc_ref[...] = jnp.maximum(acc_ref[...], bm)

    @pl.when(i == n_i - 1)
    def _():
        m = _elu(acc_ref[0:1, :])
        y_ref[...] = _dot_t(m, wfc_ref[...]) + bfc_ref[...]


def kernel(x, edge_index, Wl1, bl1, Wr1, Wl2, bl2, Wr2, Wfc, bfc):
    n, d = x.shape
    e = edge_index.shape[1]
    h1 = Wl1.shape[0]
    h2 = Wl2.shape[0]

    src = edge_index[0].astype(jnp.int32)
    dst = edge_index[1].astype(jnp.int32)

    n_pad = ((n + 2047) // 2048) * 2048

    z1 = jnp.zeros((n_pad, d), jnp.float32)
    p, dp = _make_seg_sum(n, d, n_pad, e, True)(x, src, dst, z1)
    p = p.reshape(NUM_CORES, n_pad, d)[:, :n]
    dd = dp.reshape(NUM_CORES, n_pad)[:, :n]
    d0 = dd[0].reshape(n, 1)
    d1 = dd[1].reshape(n, 1)

    bn = 1000
    grid1 = (n // bn,)
    g, r, dinv = pl.pallas_call(
        _dense1_body,
        grid=grid1,
        in_specs=[
            pl.BlockSpec((bn, d), lambda i: (i, 0)),
            pl.BlockSpec((bn, d), lambda i: (i, 0)),
            pl.BlockSpec((bn, d), lambda i: (i, 0)),
            pl.BlockSpec((bn, 1), lambda i: (i, 0)),
            pl.BlockSpec((bn, 1), lambda i: (i, 0)),
            pl.BlockSpec((h1, d), lambda i: (0, 0)),
            pl.BlockSpec((1, h1), lambda i: (0, 0)),
            pl.BlockSpec((h1, d), lambda i: (0, 0)),
            pl.BlockSpec((h2, h1), lambda i: (0, 0)),
            pl.BlockSpec((h2, h1), lambda i: (0, 0)),
            pl.BlockSpec((1, h2), lambda i: (0, 0)),
        ],
        out_specs=[
            pl.BlockSpec((2, bn, 128), lambda i: (0, i, 0)),
            pl.BlockSpec((bn, h2), lambda i: (i, 0)),
            pl.BlockSpec((bn, 1), lambda i: (i, 0)),
        ],
        out_shape=[
            jax.ShapeDtypeStruct((2, n, 128), jnp.float32),
            jax.ShapeDtypeStruct((n, h2), jnp.float32),
            jax.ShapeDtypeStruct((n, 1), jnp.float32),
        ],
    )(x, p[0], p[1], d0, d1, Wl1, bl1.reshape(1, h1), Wr1, Wl2, Wr2,
      bl2.reshape(1, h2))

    gt = g.reshape(2 * n, 128)
    src2 = jnp.concatenate([src, src + n])
    dst2 = jnp.concatenate([dst, dst])
    z2 = jnp.zeros((n_pad, 128), jnp.float32)
    (a,) = _make_seg_sum(2 * n, 128, n_pad, 2 * e, False)(gt, src2, dst2, z2)
    a = a.reshape(NUM_CORES, n_pad, 128)[:, :n]

    y = pl.pallas_call(
        _dense2_body,
        grid=grid1,
        in_specs=[
            pl.BlockSpec((bn, 128), lambda i: (i, 0)),
            pl.BlockSpec((bn, 128), lambda i: (i, 0)),
            pl.BlockSpec((bn, 1), lambda i: (i, 0)),
            pl.BlockSpec((bn, h2), lambda i: (i, 0)),
            pl.BlockSpec((d, h2), lambda i: (0, 0)),
            pl.BlockSpec((1, d), lambda i: (0, 0)),
        ],
        out_specs=pl.BlockSpec((1, d), lambda i: (0, 0)),
        out_shape=jax.ShapeDtypeStruct((1, d), jnp.float32),
        scratch_shapes=[pltpu.VMEM((8, h2), jnp.float32)],
    )(a[0], a[1], dinv, r, Wfc, bfc.reshape(1, d))

    return y.reshape(-1)

# --- scband reference (transcript-rebuilt; emitter-appended) ---
"""Pipeline reference for scband-graph-feature-extractor-85074712199192 (READ-ONLY COPY).

The authoritative reference and input builder live on the scoring server;
editing this copy changes nothing except your own understanding.
"""

import jax, jax.numpy as jnp
import numpy as np

N = 10000
E = 320000
D = 128
H1 = D * 4
H2 = D * 2


def setup_inputs(seed: int = 0) -> dict:
    key = jax.random.key(seed)
    ks = [jax.random.fold_in(key, i) for i in range(16)]
    x = jax.random.normal(ks[0], (N, D), dtype=jnp.float32)
    edge_index = jax.random.randint(ks[1], (2, E), 0, N, dtype=jnp.int64)
    def lin(k, out_d, in_d):
        return (jax.random.normal(k, (out_d, in_d), dtype=jnp.float32) / np.sqrt(in_d)).astype(jnp.float32)
    Wl1 = lin(ks[2], H1, D)
    bl1 = jnp.zeros((H1,), dtype=jnp.float32)
    Wr1 = lin(ks[3], H1, D)
    Wl2 = lin(ks[4], H2, H1)
    bl2 = jnp.zeros((H2,), dtype=jnp.float32)
    Wr2 = lin(ks[5], H2, H1)
    Wfc = lin(ks[6], D, H2)
    bfc = jnp.zeros((D,), dtype=jnp.float32)
    return {"x": x, "edge_index": edge_index, "Wl1": Wl1, "bl1": bl1, "Wr1": Wr1,
            "Wl2": Wl2, "bl2": bl2, "Wr2": Wr2, "Wfc": Wfc, "bfc": bfc}


def _sage_conv(x, edge_index, Wl, bl, Wr, n_nodes):
    # PyG SAGEConv, aggr='mean', normalize=True, bias=True
    src = edge_index[0]
    dst = edge_index[1]
    msgs = jnp.take(x, src, axis=0)
    agg_sum = jax.ops.segment_sum(msgs, dst, num_segments=n_nodes)
    deg = jax.ops.segment_sum(jnp.ones((edge_index.shape[1],), dtype=x.dtype), dst, num_segments=n_nodes)
    agg = agg_sum / jnp.clip(deg, 1.0)[:, None]
    out = agg @ Wl.T + bl + x @ Wr.T
    nrm = jnp.sqrt(jnp.sum(out * out, axis=-1, keepdims=True))
    return out / jnp.maximum(nrm, 1e-12)


def reference(x, edge_index, Wl1, bl1, Wr1, Wl2, bl2, Wr2, Wfc, bfc):
    n_nodes = x.shape[0]
    h = _sage_conv(x, edge_index, Wl1, bl1, Wr1, n_nodes)
    h = jax.nn.elu(h)
    h = _sage_conv(h, edge_index, Wl2, bl2, Wr2, n_nodes)
    h = jax.nn.elu(h)
    # global_max_pool with batch_index all zeros -> max over all nodes
    h = jnp.max(h, axis=0, keepdims=True)
    h = jax.nn.elu(h)
    h = h @ Wfc.T + bfc
    return h.reshape(-1)

if __name__ == "__main__":
    import jax
    _d = setup_inputs()
    print(jax.jit(kernel)(*tuple(_d.values())))

</pallas_src>

<mosaic_0001>
#map = affine_map<(d0, d1) -> (0, 0)>
#map1 = affine_map<(d0, d1) -> (0)>
#map2 = affine_map<(d0, d1) -> (0, 0, 0)>
module attributes {stable_mosaic.version = 14 : i64} {
  func.func @seg(%arg0: i32, %arg1: i32, %arg2: memref<10000x128xf32, #tpu.memory_space<hbm>>, %arg3: memref<320000xi32, #tpu.memory_space<hbm>>, %arg4: memref<320000xi32, #tpu.memory_space<hbm>>, %arg5: memref<10240x128xf32, #tpu.memory_space<hbm>>, %arg6: memref<32x640x128xf32, #tpu.memory_space<hbm>>, %arg7: memref<32x640xf32, #tpu.memory_space<hbm>>, %arg8: memref<80xi32, #tpu.memory_space<vmem>>, %arg9: memref<80xi32, #tpu.memory_space<vmem>>, %arg10: memref<80x128xf32, #tpu.memory_space<vmem>>, %arg11: memref<10240x128xf32, #tpu.memory_space<vmem_shared>>, %arg12: memref<!tpu.dma_semaphore, #tpu.memory_space<semaphore_mem>>, %arg13: memref<80xf32, #tpu.memory_space<vmem>>, %arg14: memref<10240xf32, #tpu.memory_space<vmem_shared>>, %arg15: memref<640xf32, #tpu.memory_space<vmem>>) attributes {dimension_semantics = [#tpu.dimension_semantics<core_parallel>, #tpu.dimension_semantics<subcore_parallel>], iteration_bounds = array<i64: 2, 16>, scalar_prefetch = 0 : i64, scratch_operands = 8 : i64, tpu.core_type = #tpu.core_type<sc_vector_subcore>, window_params = [{transform_indices = #map}, {transform_indices = #map1}, {transform_indices = #map1}, {transform_indices = #map}, {transform_indices = #map2}, {transform_indices = #map}]} {
    %mul3A = arith.constant 16 : i32
    %mul3A_0 = arith.muli %arg0, %mul3A : i32
    %add3A = arith.addi %mul3A_0, %arg1 : i32
    %mul3A_1 = arith.constant 640 : i32
    %mul3A_2 = arith.muli %arg1, %mul3A_1 : i32
    %mul3A_3 = arith.constant 640 : i32
    %mul3A_4 = arith.muli %arg1, %mul3A_3 : i32
    "tpu.region"() ({
      %run_scoped3A = tpu.sem_alloc : memref<!tpu.dma_semaphore, #tpu.memory_space<semaphore_mem>>
      %dma_start3A = arith.constant 0 : i32
      %dma_start3A_287 = tpu.memref_slice %arg11[%mul3A_4, %dma_start3A] : memref<10240x128xf32, #tpu.memory_space<vmem_shared>> -> memref<640x128xf32, #tpu.memory_space<vmem_shared>>
      %dma_start3A_288 = arith.constant 0 : i32
      %dma_start3A_289 = tpu.memref_slice %arg5[%mul3A_2, %dma_start3A_288] : memref<10240x128xf32, #tpu.memory_space<hbm>> -> memref<640x128xf32, #tpu.memory_space<hbm>>
      tpu.enqueue_dma source(%dma_start3A_289 : memref<640x128xf32, #tpu.memory_space<hbm>>) target(%dma_start3A_287 : memref<640x128xf32, #tpu.memory_space<vmem_shared>>) target_semaphore(%run_scoped3A : memref<!tpu.dma_semaphore, #tpu.memory_space<semaphore_mem>>)
      %dma_wait3A = arith.constant 0 : i32
      %dma_wait3A_290 = tpu.memref_slice %arg11[%mul3A_4, %dma_wait3A] : memref<10240x128xf32, #tpu.memory_space<vmem_shared>> -> memref<640x128xf32, #tpu.memory_space<vmem_shared>>
      %dma_wait3A_291 = arith.constant 0 : i32
      %dma_wait3A_292 = tpu.memref_slice %arg5[%mul3A_2, %dma_wait3A_291] : memref<10240x128xf32, #tpu.memory_space<hbm>> -> memref<640x128xf32, #tpu.memory_space<hbm>>
      tpu.wait_dma2 semaphore(%run_scoped3A : memref<!tpu.dma_semaphore, #tpu.memory_space<semaphore_mem>>) src(%dma_wait3A_292 : memref<640x128xf32, #tpu.memory_space<hbm>>) dst(%dma_wait3A_290 : memref<640x128xf32, #tpu.memory_space<vmem_shared>>)
      tpu.yield
    }) : () -> ()
    %broadcast_in_dim3A = arith.constant 1.000000e+00 : f32
    %broadcast_in_dim3A_5 = vector.broadcast %broadcast_in_dim3A : f32 to vector<16xf32>
    %swap3A = arith.constant 0 : index
    %swap3A_6 = tpu.vector_load %arg13[%swap3A] {strides = array<i32>} : memref<80xf32, #tpu.memory_space<vmem>>, vector<16xf32>,
    %swap3A_7 = vector.shape_cast %swap3A_6 : vector<16xf32> to vector<16xf32>
    %swap3A_8 = vector.shape_cast %broadcast_in_dim3A_5 : vector<16xf32> to vector<16xf32>
    tpu.vector_store %arg13[%swap3A], %swap3A_8 {strides = array<i32>} : memref<80xf32, #tpu.memory_space<vmem>>, vector<16xf32>,
    %broadcast_in_dim3A_9 = arith.constant 1.000000e+00 : f32
    %broadcast_in_dim3A_10 = vector.broadcast %broadcast_in_dim3A_9 : f32 to vector<16xf32>
    %swap3A_11 = arith.constant 16 : index
    %swap3A_12 = tpu.vector_load %arg13[%swap3A_11] {strides = array<i32>} : memref<80xf32, #tpu.memory_space<vmem>>, vector<16xf32>,
    %swap3A_13 = vector.shape_cast %swap3A_12 : vector<16xf32> to vector<16xf32>
    %swap3A_14 = vector.shape_cast %broadcast_in_dim3A_10 : vector<16xf32> to vector<16xf32>
    tpu.vector_store %arg13[%swap3A_11], %swap3A_14 {strides = array<i32>} : memref<80xf32, #tpu.memory_space<vmem>>, vector<16xf32>,
    %broadcast_in_dim3A_15 = arith.constant 1.000000e+00 : f32
    %broadcast_in_dim3A_16 = vector.broadcast %broadcast_in_dim3A_15 : f32 to vector<16xf32>
    %swap3A_17 = arith.constant 32 : index
    %swap3A_18 = tpu.vector_load %arg13[%swap3A_17] {strides = array<i32>} : memref<80xf32, #tpu.memory_space<vmem>>, vector<16xf32>,
    %swap3A_19 = vector.shape_cast %swap3A_18 : vector<16xf32> to vector<16xf32>
    %swap3A_20 = vector.shape_cast %broadcast_in_dim3A_16 : vector<16xf32> to vector<16xf32>
    tpu.vector_store %arg13[%swap3A_17], %swap3A_20 {strides = array<i32>} : memref<80xf32, #tpu.memory_space<vmem>>, vector<16xf32>,
    %broadcast_in_dim3A_21 = arith.constant 1.000000e+00 : f32
    %broadcast_in_dim3A_22 = vector.broadcast %broadcast_in_dim3A_21 : f32 to vector<16xf32>
    %swap3A_23 = arith.constant 48 : index
    %swap3A_24 = tpu.vector_load %arg13[%swap3A_23] {strides = array<i32>} : memref<80xf32, #tpu.memory_space<vmem>>, vector<16xf32>,
    %swap3A_25 = vector.shape_cast %swap3A_24 : vector<16xf32> to vector<16xf32>
    %swap3A_26 = vector.shape_cast %broadcast_in_dim3A_22 : vector<16xf32> to vector<16xf32>
    tpu.vector_store %arg13[%swap3A_23], %swap3A_26 {strides = array<i32>} : memref<80xf32, #tpu.memory_space<vmem>>, vector<16xf32>,
    %broadcast_in_dim3A_27 = arith.constant 1.000000e+00 : f32
    %broadcast_in_dim3A_28 = vector.broadcast %broadcast_in_dim3A_27 : f32 to vector<16xf32>
    %swap3A_29 = arith.constant 64 : index
    %swap3A_30 = tpu.vector_load %arg13[%swap3A_29] {strides = array<i32>} : memref<80xf32, #tpu.memory_space<vmem>>, vector<16xf32>,
    %swap3A_31 = vector.shape_cast %swap3A_30 : vector<16xf32> to vector<16xf32>
    %swap3A_32 = vector.shape_cast %broadcast_in_dim3A_28 : vector<16xf32> to vector<16xf32>
    tpu.vector_store %arg13[%swap3A_29], %swap3A_32 {strides = array<i32>} : memref<80xf32, #tpu.memory_space<vmem>>, vector<16xf32>,
    %broadcast_in_dim3A_33 = arith.constant 0.000000e+00 : f32
    %broadcast_in_dim3A_34 = vector.broadcast %broadcast_in_dim3A_33 : f32 to vector<16xf32>
    %swap3A_35 = arith.constant 0 : index
    %swap3A_36 = tpu.vector_load %arg15[%swap3A_35] {strides = array<i32>} : memref<640xf32, #tpu.memory_space<vmem>>, vector<16xf32>,
    %swap3A_37 = vector.shape_cast %swap3A_36 : vector<16xf32> to vector<16xf32>
    %swap3A_38 = vector.shape_cast %broadcast_in_dim3A_34 : vector<16xf32> to vector<16xf32>
    tpu.vector_store %arg15[%swap3A_35], %swap3A_38 {strides = array<i32>} : memref<640xf32, #tpu.memory_space<vmem>>, vector<16xf32>,
    %broadcast_in_dim3A_39 = arith.constant 0.000000e+00 : f32
    %broadcast_in_dim3A_40 = vector.broadcast %broadcast_in_dim3A_39 : f32 to vector<16xf32>
    %swap3A_41 = arith.constant 16 : index
    %swap3A_42 = tpu.vector_load %arg15[%swap3A_41] {strides = array<i32>} : memref<640xf32, #tpu.memory_space<vmem>>, vector<16xf32>,
    %swap3A_43 = vector.shape_cast %swap3A_42 : vector<16xf32> to vector<16xf32>
    %swap3A_44 = vector.shape_cast %broadcast_in_dim3A_40 : vector<16xf32> to vector<16xf32>
    tpu.vector_store %arg15[%swap3A_41], %swap3A_44 {strides = array<i32>} : memref<640xf32, #tpu.memory_space<vmem>>, vector<16xf32>,
    %broadcast_in_dim3A_45 = arith.constant 0.000000e+00 : f32
    %broadcast_in_dim3A_46 = vector.broadcast %broadcast_in_dim3A_45 : f32 to vector<16xf32>
    %swap3A_47 = arith.constant 32 : index
    %swap3A_48 = tpu.vector_load %arg15[%swap3A_47] {strides = array<i32>} : memref<640xf32, #tpu.memory_space<vmem>>, vector<16xf32>,
    %swap3A_49 = vector.shape_cast %swap3A_48 : vector<16xf32> to vector<16xf32>
    %swap3A_50 = vector.shape_cast %broadcast_in_dim3A_46 : vector<16xf32> to vector<16xf32>
    tpu.vector_store %arg15[%swap3A_47], %swap3A_50 {strides = array<i32>} : memref<640xf32, #tpu.memory_space<vmem>>, vector<16xf32>,
    %broadcast_in_dim3A_51 = arith.constant 0.000000e+00 : f32
    %broadcast_in_dim3A_52 = vector.broadcast %broadcast_in_dim3A_51 : f32 to vector<16xf32>
    %swap3A_53 = arith.constant 48 : index
    %swap3A_54 = tpu.vector_load %arg15[%swap3A_53] {strides = array<i32>} : memref<640xf32, #tpu.memory_space<vmem>>, vector<16xf32>,
    %swap3A_55 = vector.shape_cast %swap3A_54 : vector<16xf32> to vector<16xf32>
    %swap3A_56 = vector.shape_cast %broadcast_in_dim3A_52 : vector<16xf32> to vector<16xf32>
    tpu.vector_store %arg15[%swap3A_53], %swap3A_56 {strides = array<i32>} : memref<640xf32, #tpu.memory_space<vmem>>, vector<16xf32>,
    %broadcast_in_dim3A_57 = arith.constant 0.000000e+00 : f32
    %broadcast_in_dim3A_58 = vector.broadcast %broadcast_in_dim3A_57 : f32 to vector<16xf32>
    %swap3A_59 = arith.constant 64 : index
    %swap3A_60 = tpu.vector_load %arg15[%swap3A_59] {strides = array<i32>} : memref<640xf32, #tpu.memory_space<vmem>>, vector<16xf32>,
    %swap3A_61 = vector.shape_cast %swap3A_60 : vector<16xf32> to vector<16xf32>
    %swap3A_62 = vector.shape_cast %broadcast_in_dim3A_58 : vector<16xf32> to vector<16xf32>
    tpu.vector_store %arg15[%swap3A_59], %swap3A_62 {strides = array<i32>} : memref<640xf32, #tpu.memory_space<vmem>>, vector<16xf32>,
    %broadcast_in_dim3A_63 = arith.constant 0.000000e+00 : f32
    %broadcast_in_dim3A_64 = vector.broadcast %broadcast_in_dim3A_63 : f32 to vector<16xf32>
    %swap3A_65 = arith.constant 80 : index
    %swap3A_66 = tpu.vector_load %arg15[%swap3A_65] {strides = array<i32>} : memref<640xf32, #tpu.memory_space<vmem>>, vector<16xf32>,
    %swap3A_67 = vector.shape_cast %swap3A_66 : vector<16xf32> to vector<16xf32>
    %swap3A_68 = vector.shape_cast %broadcast_in_dim3A_64 : vector<16xf32> to vector<16xf32>
    tpu.vector_store %arg15[%swap3A_65], %swap3A_68 {strides = array<i32>} : memref<640xf32, #tpu.memory_space<vmem>>, vector<16xf32>,
    %broadcast_in_dim3A_69 = arith.constant 0.000000e+00 : f32
    %broadcast_in_dim3A_70 = vector.broadcast %broadcast_in_dim3A_69 : f32 to vector<16xf32>
    %swap3A_71 = arith.constant 96 : index
    %swap3A_72 = tpu.vector_load %arg15[%swap3A_71] {strides = array<i32>} : memref<640xf32, #tpu.memory_space<vmem>>, vector<16xf32>,
    %swap3A_73 = vector.shape_cast %swap3A_72 : vector<16xf32> to vector<16xf32>
    %swap3A_74 = vector.shape_cast %broadcast_in_dim3A_70 : vector<16xf32> to vector<16xf32>
    tpu.vector_store %arg15[%swap3A_71], %swap3A_74 {strides = array<i32>} : memref<640xf32, #tpu.memory_space<vmem>>, vector<16xf32>,
    %broadcast_in_dim3A_75 = arith.constant 0.000000e+00 : f32
    %broadcast_in_dim3A_76 = vector.broadcast %broadcast_in_dim3A_75 : f32 to vector<16xf32>
    %swap3A_77 = arith.constant 112 : index
    %swap3A_78 = tpu.vector_load %arg15[%swap3A_77] {strides = array<i32>} : memref<640xf32, #tpu.memory_space<vmem>>, vector<16xf32>,
    %swap3A_79 = vector.shape_cast %swap3A_78 : vector<16xf32> to vector<16xf32>
    %swap3A_80 = vector.shape_cast %broadcast_in_dim3A_76 : vector<16xf32> to vector<16xf32>
    tpu.vector_store %arg15[%swap3A_77], %swap3A_80 {strides = array<i32>} : memref<640xf32, #tpu.memory_space<vmem>>, vector<16xf32>,
    %broadcast_in_dim3A_81 = arith.constant 0.000000e+00 : f32
    %broadcast_in_dim3A_82 = vector.broadcast %broadcast_in_dim3A_81 : f32 to vector<16xf32>
    %swap3A_83 = arith.constant 128 : index
    %swap3A_84 = tpu.vector_load %arg15[%swap3A_83] {strides = array<i32>} : memref<640xf32, #tpu.memory_space<vmem>>, vector<16xf32>,
    %swap3A_85 = vector.shape_cast %swap3A_84 : vector<16xf32> to vector<16xf32>
    %swap3A_86 = vector.shape_cast %broadcast_in_dim3A_82 : vector<16xf32> to vector<16xf32>
    tpu.vector_store %arg15[%swap3A_83], %swap3A_86 {strides = array<i32>} : memref<640xf32, #tpu.memory_space<vmem>>, vector<16xf32>,
    %broadcast_in_dim3A_87 = arith.constant 0.000000e+00 : f32
    %broadcast_in_dim3A_88 = vector.broadcast %broadcast_in_dim3A_87 : f32 to vector<16xf32>
    %swap3A_89 = arith.constant 144 : index
    %swap3A_90 = tpu.vector_load %arg15[%swap3A_89] {strides = array<i32>} : memref<640xf32, #tpu.memory_space<vmem>>, vector<16xf32>,
    %swap3A_91 = vector.shape_cast %swap3A_90 : vector<16xf32> to vector<16xf32>
    %swap3A_92 = vector.shape_cast %broadcast_in_dim3A_88 : vector<16xf32> to vector<16xf32>
    tpu.vector_store %arg15[%swap3A_89], %swap3A_92 {strides = array<i32>} : memref<640xf32, #tpu.memory_space<vmem>>, vector<16xf32>,
    %broadcast_in_dim3A_93 = arith.constant 0.000000e+00 : f32
    %broadcast_in_dim3A_94 = vector.broadcast %broadcast_in_dim3A_93 : f32 to vector<16xf32>
    %swap3A_95 = arith.constant 160 : index
    %swap3A_96 = tpu.vector_load %arg15[%swap3A_95] {strides = array<i32>} : memref<640xf32, #tpu.memory_space<vmem>>, vector<16xf32>,
    %swap3A_97 = vector.shape_cast %swap3A_96 : vector<16xf32> to vector<16xf32>
    %swap3A_98 = vector.shape_cast %broadcast_in_dim3A_94 : vector<16xf32> to vector<16xf32>
    tpu.vector_store %arg15[%swap3A_95], %swap3A_98 {strides = array<i32>} : memref<640xf32, #tpu.memory_space<vmem>>, vector<16xf32>,
    %broadcast_in_dim3A_99 = arith.constant 0.000000e+00 : f32
    %broadcast_in_dim3A_100 = vector.broadcast %broadcast_in_dim3A_99 : f32 to vector<16xf32>
    %swap3A_101 = arith.constant 176 : index
    %swap3A_102 = tpu.vector_load %arg15[%swap3A_101] {strides = array<i32>} : memref<640xf32, #tpu.memory_space<vmem>>, vector<16xf32>,
    %swap3A_103 = vector.shape_cast %swap3A_102 : vector<16xf32> to vector<16xf32>
    %swap3A_104 = vector.shape_cast %broadcast_in_dim3A_100 : vector<16xf32> to vector<16xf32>
    tpu.vector_store %arg15[%swap3A_101], %swap3A_104 {strides = array<i32>} : memref<640xf32, #tpu.memory_space<vmem>>, vector<16xf32>,
    %broadcast_in_dim3A_105 = arith.constant 0.000000e+00 : f32
    %broadcast_in_dim3A_106 = vector.broadcast %broadcast_in_dim3A_105 : f32 to vector<16xf32>
    %swap3A_107 = arith.constant 192 : index
    %swap3A_108 = tpu.vector_load %arg15[%swap3A_107] {strides = array<i32>} : memref<640xf32, #tpu.memory_space<vmem>>, vector<16xf32>,
    %swap3A_109 = vector.shape_cast %swap3A_108 : vector<16xf32> to vector<16xf32>
    %swap3A_110 = vector.shape_cast %broadcast_in_dim3A_106 : vector<16xf32> to vector<16xf32>
    tpu.vector_store %arg15[%swap3A_107], %swap3A_110 {strides = array<i32>} : memref<640xf32, #tpu.memory_space<vmem>>, vector<16xf32>,
    %broadcast_in_dim3A_111 = arith.constant 0.000000e+00 : f32
    %broadcast_in_dim3A_112 = vector.broadcast %broadcast_in_dim3A_111 : f32 to vector<16xf32>
    %swap3A_113 = arith.constant 208 : index
    %swap3A_114 = tpu.vector_load %arg15[%swap3A_113] {strides = array<i32>} : memref<640xf32, #tpu.memory_space<vmem>>, vector<16xf32>,
    %swap3A_115 = vector.shape_cast %swap3A_114 : vector<16xf32> to vector<16xf32>
    %swap3A_116 = vector.shape_cast %broadcast_in_dim3A_112 : vector<16xf32> to vector<16xf32>
    tpu.vector_store %arg15[%swap3A_113], %swap3A_116 {strides = array<i32>} : memref<640xf32, #tpu.memory_space<vmem>>, vector<16xf32>,
    %broadcast_in_dim3A_117 = arith.constant 0.000000e+00 : f32
    %broadcast_in_dim3A_118 = vector.broadcast %broadcast_in_dim3A_117 : f32 to vector<16xf32>
    %swap3A_119 = arith.constant 224 : index
    %swap3A_120 = tpu.vector_load %arg15[%swap3A_119] {strides = array<i32>} : memref<640xf32, #tpu.memory_space<vmem>>, vector<16xf32>,
    %swap3A_121 = vector.shape_cast %swap3A_120 : vector<16xf32> to vector<16xf32>
    %swap3A_122 = vector.shape_cast %broadcast_in_dim3A_118 : vector<16xf32> to vector<16xf32>
    tpu.vector_store %arg15[%swap3A_119], %swap3A_122 {strides = array<i32>} : memref<640xf32, #tpu.memory_space<vmem>>, vector<16xf32>,
    %broadcast_in_dim3A_123 = arith.constant 0.000000e+00 : f32
    %broadcast_in_dim3A_124 = vector.broadcast %broadcast_in_dim3A_123 : f32 to vector<16xf32>
    %swap3A_125 = arith.constant 240 : index
    %swap3A_126 = tpu.vector_load %arg15[%swap3A_125] {strides = array<i32>} : memref<640xf32, #tpu.memory_space<vmem>>, vector<16xf32>,
    %swap3A_127 = vector.shape_cast %swap3A_126 : vector<16xf32> to vector<16xf32>
    %swap3A_128 = vector.shape_cast %broadcast_in_dim3A_124 : vector<16xf32> to vector<16xf32>
    tpu.vector_store %arg15[%swap3A_125], %swap3A_128 {strides = array<i32>} : memref<640xf32, #tpu.memory_space<vmem>>, vector<16xf32>,
    %broadcast_in_dim3A_129 = arith.constant 0.000000e+00 : f32
    %broadcast_in_dim3A_130 = vector.broadcast %broadcast_in_dim3A_129 : f32 to vector<16xf32>
    %swap3A_131 = arith.constant 256 : index
    %swap3A_132 = tpu.vector_load %arg15[%swap3A_131] {strides = array<i32>} : memref<640xf32, #tpu.memory_space<vmem>>, vector<16xf32>,
    %swap3A_133 = vector.shape_cast %swap3A_132 : vector<16xf32> to vector<16xf32>
    %swap3A_134 = vector.shape_cast %broadcast_in_dim3A_130 : vector<16xf32> to vector<16xf32>
    tpu.vector_store %arg15[%swap3A_131], %swap3A_134 {strides = array<i32>} : memref<640xf32, #tpu.memory_space<vmem>>, vector<16xf32>,
    %broadcast_in_dim3A_135 = arith.constant 0.000000e+00 : f32
    %broadcast_in_dim3A_136 = vector.broadcast %broadcast_in_dim3A_135 : f32 to vector<16xf32>
    %swap3A_137 = arith.constant 272 : index
    %swap3A_138 = tpu.vector_load %arg15[%swap3A_137] {strides = array<i32>} : memref<640xf32, #tpu.memory_space<vmem>>, vector<16xf32>,
    %swap3A_139 = vector.shape_cast %swap3A_138 : vector<16xf32> to vector<16xf32>
    %swap3A_140 = vector.shape_cast %broadcast_in_dim3A_136 : vector<16xf32> to vector<16xf32>
    tpu.vector_store %arg15[%swap3A_137], %swap3A_140 {strides = array<i32>} : memref<640xf32, #tpu.memory_space<vmem>>, vector<16xf32>,
    %broadcast_in_dim3A_141 = arith.constant 0.000000e+00 : f32
    %broadcast_in_dim3A_142 = vector.broadcast %broadcast_in_dim3A_141 : f32 to vector<16xf32>
    %swap3A_143 = arith.constant 288 : index
    %swap3A_144 = tpu.vector_load %arg15[%swap3A_143] {strides = array<i32>} : memref<640xf32, #tpu.memory_space<vmem>>, vector<16xf32>,
    %swap3A_145 = vector.shape_cast %swap3A_144 : vector<16xf32> to vector<16xf32>
    %swap3A_146 = vector.shape_cast %broadcast_in_dim3A_142 : vector<16xf32> to vector<16xf32>
    tpu.vector_store %arg15[%swap3A_143], %swap3A_146 {strides = array<i32>} : memref<640xf32, #tpu.memory_space<vmem>>, vector<16xf32>,
    %broadcast_in_dim3A_147 = arith.constant 0.000000e+00 : f32
    %broadcast_in_dim3A_148 = vector.broadcast %broadcast_in_dim3A_147 : f32 to vector<16xf32>
    %swap3A_149 = arith.constant 304 : index
    %swap3A_150 = tpu.vector_load %arg15[%swap3A_149] {strides = array<i32>} : memref<640xf32, #tpu.memory_space<vmem>>, vector<16xf32>,
    %swap3A_151 = vector.shape_cast %swap3A_150 : vector<16xf32> to vector<16xf32>
    %swap3A_152 = vector.shape_cast %broadcast_in_dim3A_148 : vector<16xf32> to vector<16xf32>
    tpu.vector_store %arg15[%swap3A_149], %swap3A_152 {strides = array<i32>} : memref<640xf32, #tpu.memory_space<vmem>>, vector<16xf32>,
    %broadcast_in_dim3A_153 = arith.constant 0.000000e+00 : f32
    %broadcast_in_dim3A_154 = vector.broadcast %broadcast_in_dim3A_153 : f32 to vector<16xf32>
    %swap3A_155 = arith.constant 320 : index
    %swap3A_156 = tpu.vector_load %arg15[%swap3A_155] {strides = array<i32>} : memref<640xf32, #tpu.memory_space<vmem>>, vector<16xf32>,
    %swap3A_157 = vector.shape_cast %swap3A_156 : vector<16xf32> to vector<16xf32>
    %swap3A_158 = vector.shape_cast %broadcast_in_dim3A_154 : vector<16xf32> to vector<16xf32>
    tpu.vector_store %arg15[%swap3A_155], %swap3A_158 {strides = array<i32>} : memref<640xf32, #tpu.memory_space<vmem>>, vector<16xf32>,
    %broadcast_in_dim3A_159 = arith.constant 0.000000e+00 : f32
    %broadcast_in_dim3A_160 = vector.broadcast %broadcast_in_dim3A_159 : f32 to vector<16xf32>
    %swap3A_161 = arith.constant 336 : index
    %swap3A_162 = tpu.vector_load %arg15[%swap3A_161] {strides = array<i32>} : memref<640xf32, #tpu.memory_space<vmem>>, vector<16xf32>,
    %swap3A_163 = vector.shape_cast %swap3A_162 : vector<16xf32> to vector<16xf32>
    %swap3A_164 = vector.shape_cast %broadcast_in_dim3A_160 : vector<16xf32> to vector<16xf32>
    tpu.vector_store %arg15[%swap3A_161], %swap3A_164 {strides = array<i32>} : memref<640xf32, #tpu.memory_space<vmem>>, vector<16xf32>,
    %broadcast_in_dim3A_165 = arith.constant 0.000000e+00 : f32
    %broadcast_in_dim3A_166 = vector.broadcast %broadcast_in_dim3A_165 : f32 to vector<16xf32>
    %swap3A_167 = arith.constant 352 : index
    %swap3A_168 = tpu.vector_load %arg15[%swap3A_167] {strides = array<i32>} : memref<640xf32, #tpu.memory_space<vmem>>, vector<16xf32>,
    %swap3A_169 = vector.shape_cast %swap3A_168 : vector<16xf32> to vector<16xf32>
    %swap3A_170 = vector.shape_cast %broadcast_in_dim3A_166 : vector<16xf32> to vector<16xf32>
    tpu.vector_store %arg15[%swap3A_167], %swap3A_170 {strides = array<i32>} : memref<640xf32, #tpu.memory_space<vmem>>, vector<16xf32>,
    %broadcast_in_dim3A_171 = arith.constant 0.000000e+00 : f32
    %broadcast_in_dim3A_172 = vector.broadcast %broadcast_in_dim3A_171 : f32 to vector<16xf32>
    %swap3A_173 = arith.constant 368 : index
    %swap3A_174 = tpu.vector_load %arg15[%swap3A_173] {strides = array<i32>} : memref<640xf32, #tpu.memory_space<vmem>>, vector<16xf32>,
    %swap3A_175 = vector.shape_cast %swap3A_174 : vector<16xf32> to vector<16xf32>
    %swap3A_176 = vector.shape_cast %broadcast_in_dim3A_172 : vector<16xf32> to vector<16xf32>
    tpu.vector_store %arg15[%swap3A_173], %swap3A_176 {strides = array<i32>} : memref<640xf32, #tpu.memory_space<vmem>>, vector<16xf32>,
    %broadcast_in_dim3A_177 = arith.constant 0.000000e+00 : f32
    %broadcast_in_dim3A_178 = vector.broadcast %broadcast_in_dim3A_177 : f32 to vector<16xf32>
    %swap3A_179 = arith.constant 384 : index
    %swap3A_180 = tpu.vector_load %arg15[%swap3A_179] {strides = array<i32>} : memref<640xf32, #tpu.memory_space<vmem>>, vector<16xf32>,
    %swap3A_181 = vector.shape_cast %swap3A_180 : vector<16xf32> to vector<16xf32>
    %swap3A_182 = vector.shape_cast %broadcast_in_dim3A_178 : vector<16xf32> to vector<16xf32>
    tpu.vector_store %arg15[%swap3A_179], %swap3A_182 {strides = array<i32>} : memref<640xf32, #tpu.memory_space<vmem>>, vector<16xf32>,
    %broadcast_in_dim3A_183 = arith.constant 0.000000e+00 : f32
    %broadcast_in_dim3A_184 = vector.broadcast %broadcast_in_dim3A_183 : f32 to vector<16xf32>
    %swap3A_185 = arith.constant 400 : index
    %swap3A_186 = tpu.vector_load %arg15[%swap3A_185] {strides = array<i32>} : memref<640xf32, #tpu.memory_space<vmem>>, vector<16xf32>,
    %swap3A_187 = vector.shape_cast %swap3A_186 : vector<16xf32> to vector<16xf32>
    %swap3A_188 = vector.shape_cast %broadcast_in_dim3A_184 : vector<16xf32> to vector<16xf32>
    tpu.vector_store %arg15[%swap3A_185], %swap3A_188 {strides = array<i32>} : memref<640xf32, #tpu.memory_space<vmem>>, vector<16xf32>,
    %broadcast_in_dim3A_189 = arith.constant 0.000000e+00 : f32
    %broadcast_in_dim3A_190 = vector.broadcast %broadcast_in_dim3A_189 : f32 to vector<16xf32>
    %swap3A_191 = arith.constant 416 : index
    %swap3A_192 = tpu.vector_load %arg15[%swap3A_191] {strides = array<i32>} : memref<640xf32, #tpu.memory_space<vmem>>, vector<16xf32>,
    %swap3A_193 = vector.shape_cast %swap3A_192 : vector<16xf32> to vector<16xf32>
    %swap3A_194 = vector.shape_cast %broadcast_in_dim3A_190 : vector<16xf32> to vector<16xf32>
    tpu.vector_store %arg15[%swap3A_191], %swap3A_194 {strides = array<i32>} : memref<640xf32, #tpu.memory_space<vmem>>, vector<16xf32>,
    %broadcast_in_dim3A_195 = arith.constant 0.000000e+00 : f32
    %broadcast_in_dim3A_196 = vector.broadcast %broadcast_in_dim3A_195 : f32 to vector<16xf32>
    %swap3A_197 = arith.constant 432 : index
    %swap3A_198 = tpu.vector_load %arg15[%swap3A_197] {strides = array<i32>} : memref<640xf32, #tpu.memory_space<vmem>>, vector<16xf32>,
    %swap3A_199 = vector.shape_cast %swap3A_198 : vector<16xf32> to vector<16xf32>
    %swap3A_200 = vector.shape_cast %broadcast_in_dim3A_196 : vector<16xf32> to vector<16xf32>
    tpu.vector_store %arg15[%swap3A_197], %swap3A_200 {strides = array<i32>} : memref<640xf32, #tpu.memory_space<vmem>>, vector<16xf32>,
    %broadcast_in_dim3A_201 = arith.constant 0.000000e+00 : f32
    %broadcast_in_dim3A_202 = vector.broadcast %broadcast_in_dim3A_201 : f32 to vector<16xf32>
    %swap3A_203 = arith.constant 448 : index
    %swap3A_204 = tpu.vector_load %arg15[%swap3A_203] {strides = array<i32>} : memref<640xf32, #tpu.memory_space<vmem>>, vector<16xf32>,
    %swap3A_205 = vector.shape_cast %swap3A_204 : vector<16xf32> to vector<16xf32>
    %swap3A_206 = vector.shape_cast %broadcast_in_dim3A_202 : vector<16xf32> to vector<16xf32>
    tpu.vector_store %arg15[%swap3A_203], %swap3A_206 {strides = array<i32>} : memref<640xf32, #tpu.memory_space<vmem>>, vector<16xf32>,
    %broadcast_in_dim3A_207 = arith.constant 0.000000e+00 : f32
    %broadcast_in_dim3A_208 = vector.broadcast %broadcast_in_dim3A_207 : f32 to vector<16xf32>
    %swap3A_209 = arith.constant 464 : index
    %swap3A_210 = tpu.vector_load %arg15[%swap3A_209] {strides = array<i32>} : memref<640xf32, #tpu.memory_space<vmem>>, vector<16xf32>,
    %swap3A_211 = vector.shape_cast %swap3A_210 : vector<16xf32> to vector<16xf32>
    %swap3A_212 = vector.shape_cast %broadcast_in_dim3A_208 : vector<16xf32> to vector<16xf32>
    tpu.vector_store %arg15[%swap3A_209], %swap3A_212 {strides = array<i32>} : memref<640xf32, #tpu.memory_space<vmem>>, vector<16xf32>,
    %broadcast_in_dim3A_213 = arith.constant 0.000000e+00 : f32
    %broadcast_in_dim3A_214 = vector.broadcast %broadcast_in_dim3A_213 : f32 to vector<16xf32>
    %swap3A_215 = arith.constant 480 : index
    %swap3A_216 = tpu.vector_load %arg15[%swap3A_215] {strides = array<i32>} : memref<640xf32, #tpu.memory_space<vmem>>, vector<16xf32>,
    %swap3A_217 = vector.shape_cast %swap3A_216 : vector<16xf32> to vector<16xf32>
    %swap3A_218 = vector.shape_cast %broadcast_in_dim3A_214 : vector<16xf32> to vector<16xf32>
    tpu.vector_store %arg15[%swap3A_215], %swap3A_218 {strides = array<i32>} : memref<640xf32, #tpu.memory_space<vmem>>, vector<16xf32>,
    %broadcast_in_dim3A_219 = arith.constant 0.000000e+00 : f32
    %broadcast_in_dim3A_220 = vector.broadcast %broadcast_in_dim3A_219 : f32 to vector<16xf32>
    %swap3A_221 = arith.constant 496 : index
    %swap3A_222 = tpu.vector_load %arg15[%swap3A_221] {strides = array<i32>} : memref<640xf32, #tpu.memory_space<vmem>>, vector<16xf32>,
    %swap3A_223 = vector.shape_cast %swap3A_222 : vector<16xf32> to vector<16xf32>
    %swap3A_224 = vector.shape_cast %broadcast_in_dim3A_220 : vector<16xf32> to vector<16xf32>
    tpu.vector_store %arg15[%swap3A_221], %swap3A_224 {strides = array<i32>} : memref<640xf32, #tpu.memory_space<vmem>>, vector<16xf32>,
    %broadcast_in_dim3A_225 = arith.constant 0.000000e+00 : f32
    %broadcast_in_dim3A_226 = vector.broadcast %broadcast_in_dim3A_225 : f32 to vector<16xf32>
    %swap3A_227 = arith.constant 512 : index
    %swap3A_228 = tpu.vector_load %arg15[%swap3A_227] {strides = array<i32>} : memref<640xf32, #tpu.memory_space<vmem>>, vector<16xf32>,
    %swap3A_229 = vector.shape_cast %swap3A_228 : vector<16xf32> to vector<16xf32>
    %swap3A_230 = vector.shape_cast %broadcast_in_dim3A_226 : vector<16xf32> to vector<16xf32>
    tpu.vector_store %arg15[%swap3A_227], %swap3A_230 {strides = array<i32>} : memref<640xf32, #tpu.memory_space<vmem>>, vector<16xf32>,
    %broadcast_in_dim3A_231 = arith.constant 0.000000e+00 : f32
    %broadcast_in_dim3A_232 = vector.broadcast %broadcast_in_dim3A_231 : f32 to vector<16xf32>
    %swap3A_233 = arith.constant 528 : index
    %swap3A_234 = tpu.vector_load %arg15[%swap3A_233] {strides = array<i32>} : memref<640xf32, #tpu.memory_space<vmem>>, vector<16xf32>,
    %swap3A_235 = vector.shape_cast %swap3A_234 : vector<16xf32> to vector<16xf32>
    %swap3A_236 = vector.shape_cast %broadcast_in_dim3A_232 : vector<16xf32> to vector<16xf32>
    tpu.vector_store %arg15[%swap3A_233], %swap3A_236 {strides = array<i32>} : memref<640xf32, #tpu.memory_space<vmem>>, vector<16xf32>,
    %broadcast_in_dim3A_237 = arith.constant 0.000000e+00 : f32
    %broadcast_in_dim3A_238 = vector.broadcast %broadcast_in_dim3A_237 : f32 to vector<16xf32>
    %swap3A_239 = arith.constant 544 : index
    %swap3A_240 = tpu.vector_load %arg15[%swap3A_239] {strides = array<i32>} : memref<640xf32, #tpu.memory_space<vmem>>, vector<16xf32>,
    %swap3A_241 = vector.shape_cast %swap3A_240 : vector<16xf32> to vector<16xf32>
    %swap3A_242 = vector.shape_cast %broadcast_in_dim3A_238 : vector<16xf32> to vector<16xf32>
    tpu.vector_store %arg15[%swap3A_239], %swap3A_242 {strides = array<i32>} : memref<640xf32, #tpu.memory_space<vmem>>, vector<16xf32>,
    %broadcast_in_dim3A_243 = arith.constant 0.000000e+00 : f32
    %broadcast_in_dim3A_244 = vector.broadcast %broadcast_in_dim3A_243 : f32 to vector<16xf32>
    %swap3A_245 = arith.constant 560 : index
    %swap3A_246 = tpu.vector_load %arg15[%swap3A_245] {strides = array<i32>} : memref<640xf32, #tpu.memory_space<vmem>>, vector<16xf32>,
    %swap3A_247 = vector.shape_cast %swap3A_246 : vector<16xf32> to vector<16xf32>
    %swap3A_248 = vector.shape_cast %broadcast_in_dim3A_244 : vector<16xf32> to vector<16xf32>
    tpu.vector_store %arg15[%swap3A_245], %swap3A_248 {strides = array<i32>} : memref<640xf32, #tpu.memory_space<vmem>>, vector<16xf32>,
    %broadcast_in_dim3A_249 = arith.constant 0.000000e+00 : f32
    %broadcast_in_dim3A_250 = vector.broadcast %broadcast_in_dim3A_249 : f32 to vector<16xf32>
    %swap3A_251 = arith.constant 576 : index
    %swap3A_252 = tpu.vector_load %arg15[%swap3A_251] {strides = array<i32>} : memref<640xf32, #tpu.memory_space<vmem>>, vector<16xf32>,
    %swap3A_253 = vector.shape_cast %swap3A_252 : vector<16xf32> to vector<16xf32>
    %swap3A_254 = vector.shape_cast %broadcast_in_dim3A_250 : vector<16xf32> to vector<16xf32>
    tpu.vector_store %arg15[%swap3A_251], %swap3A_254 {strides = array<i32>} : memref<640xf32, #tpu.memory_space<vmem>>, vector<16xf32>,
    %broadcast_in_dim3A_255 = arith.constant 0.000000e+00 : f32
    %broadcast_in_dim3A_256 = vector.broadcast %broadcast_in_dim3A_255 : f32 to vector<16xf32>
    %swap3A_257 = arith.constant 592 : index
    %swap3A_258 = tpu.vector_load %arg15[%swap3A_257] {strides = array<i32>} : memref<640xf32, #tpu.memory_space<vmem>>, vector<16xf32>,
    %swap3A_259 = vector.shape_cast %swap3A_258 : vector<16xf32> to vector<16xf32>
    %swap3A_260 = vector.shape_cast %broadcast_in_dim3A_256 : vector<16xf32> to vector<16xf32>
    tpu.vector_store %arg15[%swap3A_257], %swap3A_260 {strides = array<i32>} : memref<640xf32, #tpu.memory_space<vmem>>, vector<16xf32>,
    %broadcast_in_dim3A_261 = arith.constant 0.000000e+00 : f32
    %broadcast_in_dim3A_262 = vector.broadcast %broadcast_in_dim3A_261 : f32 to vector<16xf32>
    %swap3A_263 = arith.constant 608 : index
    %swap3A_264 = tpu.vector_load %arg15[%swap3A_263] {strides = array<i32>} : memref<640xf32, #tpu.memory_space<vmem>>, vector<16xf32>,
    %swap3A_265 = vector.shape_cast %swap3A_264 : vector<16xf32> to vector<16xf32>
    %swap3A_266 = vector.shape_cast %broadcast_in_dim3A_262 : vector<16xf32> to vector<16xf32>
    tpu.vector_store %arg15[%swap3A_263], %swap3A_266 {strides = array<i32>} : memref<640xf32, #tpu.memory_space<vmem>>, vector<16xf32>,
    %broadcast_in_dim3A_267 = arith.constant 0.000000e+00 : f32
    %broadcast_in_dim3A_268 = vector.broadcast %broadcast_in_dim3A_267 : f32 to vector<16xf32>
    %swap3A_269 = arith.constant 624 : index
    %swap3A_270 = tpu.vector_load %arg15[%swap3A_269] {strides = array<i32>} : memref<640xf32, #tpu.memory_space<vmem>>, vector<16xf32>,
    %swap3A_271 = vector.shape_cast %swap3A_270 : vector<16xf32> to vector<16xf32>
    %swap3A_272 = vector.shape_cast %broadcast_in_dim3A_268 : vector<16xf32> to vector<16xf32>
    tpu.vector_store %arg15[%swap3A_269], %swap3A_272 {strides = array<i32>} : memref<640xf32, #tpu.memory_space<vmem>>, vector<16xf32>,
    %mul3A_273 = arith.constant 640 : i32
    %mul3A_274 = arith.muli %arg1, %mul3A_273 : i32
    "tpu.region"() ({
      %run_scoped3A = tpu.sem_alloc : memref<!tpu.dma_semaphore, #tpu.memory_space<semaphore_mem>>
      %dma_start3A = tpu.memref_slice %arg14[%mul3A_274] : memref<10240xf32, #tpu.memory_space<vmem_shared>> -> memref<640xf32, #tpu.memory_space<vmem_shared>>
      %dma_start3A_287 = tpu.memref_slice %arg14[%mul3A_274] : memref<10240xf32, #tpu.memory_space<vmem_shared>> -> memref<640xf32, #tpu.memory_space<vmem_shared>>
      tpu.enqueue_dma source(%arg15 : memref<640xf32, #tpu.memory_space<vmem>>) target(%dma_start3A_287 : memref<640xf32, #tpu.memory_space<vmem_shared>>) target_semaphore(%run_scoped3A : memref<!tpu.dma_semaphore, #tpu.memory_space<semaphore_mem>>)
      %dma_wait3A = tpu.memref_slice %arg14[%mul3A_274] : memref<10240xf32, #tpu.memory_space<vmem_shared>> -> memref<640xf32, #tpu.memory_space<vmem_shared>>
      %dma_wait3A_288 = tpu.memref_slice %arg14[%mul3A_274] : memref<10240xf32, #tpu.memory_space<vmem_shared>> -> memref<640xf32, #tpu.memory_space<vmem_shared>>
      tpu.wait_dma2 semaphore(%run_scoped3A : memref<!tpu.dma_semaphore, #tpu.memory_space<semaphore_mem>>) src(%arg15 : memref<640xf32, #tpu.memory_space<vmem>>) dst(%dma_wait3A_288 : memref<640xf32, #tpu.memory_space<vmem_shared>>)
      tpu.yield
    }) : () -> ()
    %barrier3A = arith.constant 0 : index
    tpu.barrier barrier_id(%barrier3A)
    %mul3A_275 = arith.constant 10000 : i32
    %mul3A_276 = arith.muli %add3A, %mul3A_275 : i32
    %scan3A = arith.constant 0 : i32
    %scan3A_277 = arith.constant 0 : i32
    %scan3A_278 = arith.constant 125 : i32
    %scan3A_279 = arith.addi %scan3A_277, %scan3A_278 : i32
    %scan3A_280 = arith.constant 1 : i32
    scf.for %scan3A_287 = %scan3A_277 to %scan3A_279 step %scan3A_280  : i32 {
      %mul3A_288 = arith.constant 80 : i32
      %mul3A_289 = arith.muli %scan3A_287, %mul3A_288 : i32
      %add3A_290 = arith.addi %mul3A_276, %mul3A_289 : i32
      "tpu.region"() ({
        %run_scoped3A = tpu.sem_alloc : memref<!tpu.dma_semaphore, #tpu.memory_space<semaphore_mem>>
        %dma_start3A_295 = tpu.memref_slice %arg3[%add3A_290] : memref<320000xi32, #tpu.memory_space<hbm>> -> memref<80xi32, #tpu.memory_space<hbm>>
        %dma_start3A_296 = tpu.memref_slice %arg3[%add3A_290] : memref<320000xi32, #tpu.memory_space<hbm>> -> memref<80xi32, #tpu.memory_space<hbm>>
        tpu.enqueue_dma source(%dma_start3A_296 : memref<80xi32, #tpu.memory_space<hbm>>) target(%arg8 : memref<80xi32, #tpu.memory_space<vmem>>) target_semaphore(%run_scoped3A : memref<!tpu.dma_semaphore, #tpu.memory_space<semaphore_mem>>)
        %dma_wait3A_297 = tpu.memref_slice %arg3[%add3A_290] : memref<320000xi32, #tpu.memory_space<hbm>> -> memref<80xi32, #tpu.memory_space<hbm>>
        %dma_wait3A_298 = tpu.memref_slice %arg3[%add3A_290] : memref<320000xi32, #tpu.memory_space<hbm>> -> memref<80xi32, #tpu.memory_space<hbm>>
        tpu.wait_dma2 semaphore(%run_scoped3A : memref<!tpu.dma_semaphore, #tpu.memory_space<semaphore_mem>>) src(%dma_wait3A_298 : memref<80xi32, #tpu.memory_space<hbm>>) dst(%arg8 : memref<80xi32, #tpu.memory_space<vmem>>)
        tpu.yield
      }) : () -> ()
      "tpu.region"() ({
        %run_scoped3A = tpu.sem_alloc : memref<!tpu.dma_semaphore, #tpu.memory_space<semaphore_mem>>
        %dma_start3A_295 = tpu.memref_slice %arg4[%add3A_290] : memref<320000xi32, #tpu.memory_space<hbm>> -> memref<80xi32, #tpu.memory_space<hbm>>
        %dma_start3A_296 = tpu.memref_slice %arg4[%add3A_290] : memref<320000xi32, #tpu.memory_space<hbm>> -> memref<80xi32, #tpu.memory_space<hbm>>
        tpu.enqueue_dma source(%dma_start3A_296 : memref<80xi32, #tpu.memory_space<hbm>>) target(%arg9 : memref<80xi32, #tpu.memory_space<vmem>>) target_semaphore(%run_scoped3A : memref<!tpu.dma_semaphore, #tpu.memory_space<semaphore_mem>>)
        %dma_wait3A_297 = tpu.memref_slice %arg4[%add3A_290] : memref<320000xi32, #tpu.memory_space<hbm>> -> memref<80xi32, #tpu.memory_space<hbm>>
        %dma_wait3A_298 = tpu.memref_slice %arg4[%add3A_290] : memref<320000xi32, #tpu.memory_space<hbm>> -> memref<80xi32, #tpu.memory_space<hbm>>
        tpu.wait_dma2 semaphore(%run_scoped3A : memref<!tpu.dma_semaphore, #tpu.memory_space<semaphore_mem>>) src(%dma_wait3A_298 : memref<80xi32, #tpu.memory_space<hbm>>) dst(%arg9 : memref<80xi32, #tpu.memory_space<vmem>>)
        tpu.yield
      }) : () -> ()
      %dma_start3A = arith.constant 0 : i32
      %dma_start3A_291 = arith.constant 0 : i32
      %dma_start3A_292 = tpu.memref_slice %arg2[%dma_start3A, %dma_start3A_291] : memref<10000x128xf32, #tpu.memory_space<hbm>> -> memref<10000x128xf32, #tpu.memory_space<hbm>>
      tpu.enqueue_indirect_dma source(%dma_start3A_292 : memref<10000x128xf32, #tpu.memory_space<hbm>>) target(%arg10 : memref<80x128xf32, #tpu.memory_space<vmem>>) offsets(%arg8 : memref<80xi32, #tpu.memory_space<vmem>>) semaphore(%arg12 : memref<!tpu.dma_semaphore, #tpu.memory_space<semaphore_mem>>)
      %dma_wait3A = arith.constant 0 : i32
      %dma_wait3A_293 = arith.constant 0 : i32
      %dma_wait3A_294 = tpu.memref_slice %arg2[%dma_wait3A, %dma_wait3A_293] : memref<10000x128xf32, #tpu.memory_space<hbm>> -> memref<10000x128xf32, #tpu.memory_space<hbm>>
      tpu.wait_indirect_dma semaphore(%arg12 : memref<!tpu.dma_semaphore, #tpu.memory_space<semaphore_mem>>) src(%dma_wait3A_294 : memref<10000x128xf32, #tpu.memory_space<hbm>>) dst(%arg10 : memref<80x128xf32, #tpu.memory_space<vmem>>)
      "tpu.region"() ({
        %run_scoped3A = tpu.sem_alloc : memref<!tpu.dma_semaphore, #tpu.memory_space<semaphore_mem>>
        %dma_start3A_295 = arith.constant 0 : i32
        %dma_start3A_296 = arith.constant 0 : i32
        %dma_start3A_297 = tpu.memref_slice %arg11[%dma_start3A_295, %dma_start3A_296] : memref<10240x128xf32, #tpu.memory_space<vmem_shared>> -> memref<10240x128xf32, #tpu.memory_space<vmem_shared>>
        tpu.enqueue_indirect_dma source(%arg10 : memref<80x128xf32, #tpu.memory_space<vmem>>) target(%dma_start3A_297 : memref<10240x128xf32, #tpu.memory_space<vmem_shared>>) offsets(%arg9 : memref<80xi32, #tpu.memory_space<vmem>>) semaphore(%run_scoped3A : memref<!tpu.dma_semaphore, #tpu.memory_space<semaphore_mem>>) {add = true}
        %dma_wait3A_298 = arith.constant 0 : i32
        %dma_wait3A_299 = arith.constant 0 : i32
        %dma_wait3A_300 = tpu.memref_slice %arg11[%dma_wait3A_298, %dma_wait3A_299] : memref<10240x128xf32, #tpu.memory_space<vmem_shared>> -> memref<10240x128xf32, #tpu.memory_space<vmem_shared>>
        tpu.wait_indirect_dma semaphore(%run_scoped3A : memref<!tpu.dma_semaphore, #tpu.memory_space<semaphore_mem>>) src(%arg10 : memref<80x128xf32, #tpu.memory_space<vmem>>) dst(%dma_wait3A_300 : memref<10240x128xf32, #tpu.memory_space<vmem_shared>>)
        tpu.yield
      }) : () -> ()
      "tpu.region"() ({
        %run_scoped3A = tpu.sem_alloc : memref<!tpu.dma_semaphore, #tpu.memory_space<semaphore_mem>>
        %dma_start3A_295 = arith.constant 0 : i32
        %dma_start3A_296 = tpu.memref_slice %arg14[%dma_start3A_295] : memref<10240xf32, #tpu.memory_space<vmem_shared>> -> memref<10240xf32, #tpu.memory_space<vmem_shared>>
        tpu.enqueue_indirect_dma source(%arg13 : memref<80xf32, #tpu.memory_space<vmem>>) target(%dma_start3A_296 : memref<10240xf32, #tpu.memory_space<vmem_shared>>) offsets(%arg9 : memref<80xi32, #tpu.memory_space<vmem>>) semaphore(%run_scoped3A : memref<!tpu.dma_semaphore, #tpu.memory_space<semaphore_mem>>) {add = true}
        %dma_wait3A_297 = arith.constant 0 : i32
        %dma_wait3A_298 = tpu.memref_slice %arg14[%dma_wait3A_297] : memref<10240xf32, #tpu.memory_space<vmem_shared>> -> memref<10240xf32, #tpu.memory_space<vmem_shared>>
        tpu.wait_indirect_dma semaphore(%run_scoped3A : memref<!tpu.dma_semaphore, #tpu.memory_space<semaphore_mem>>) src(%arg13 : memref<80xf32, #tpu.memory_space<vmem>>) dst(%dma_wait3A_298 : memref<10240xf32, #tpu.memory_space<vmem_shared>>)
        tpu.yield
      }) : () -> ()
    }
    %scan3A_281 = arith.constant 125 : i32
    %barrier3A_282 = arith.constant 0 : index
    tpu.barrier barrier_id(%barrier3A_282)
    %mul3A_283 = arith.constant 640 : i32
    %mul3A_284 = arith.muli %arg1, %mul3A_283 : i32
    "tpu.region"() ({
      %run_scoped3A = tpu.sem_alloc : memref<!tpu.dma_semaphore, #tpu.memory_space<semaphore_mem>>
      %dma_start3A = arith.constant 0 : i32
      %dma_start3A_287 = arith.constant 0 : i32
      %dma_start3A_288 = tpu.memref_slice %arg6[%add3A, %dma_start3A, %dma_start3A_287] : memref<32x640x128xf32, #tpu.memory_space<hbm>> -> memref<1x640x128xf32, #tpu.memory_space<hbm>>
      %dma_start3A_289 = tpu.memref_squeeze %dma_start3A_288 : memref<1x640x128xf32, #tpu.memory_space<hbm>> -> memref<640x128xf32, #tpu.memory_space<hbm>>
      %dma_start3A_290 = arith.constant 0 : i32
      %dma_start3A_291 = tpu.memref_slice %arg11[%mul3A_284, %dma_start3A_290] : memref<10240x128xf32, #tpu.memory_space<vmem_shared>> -> memref<640x128xf32, #tpu.memory_space<vmem_shared>>
      tpu.enqueue_dma source(%dma_start3A_291 : memref<640x128xf32, #tpu.memory_space<vmem_shared>>) target(%dma_start3A_289 : memref<640x128xf32, #tpu.memory_space<hbm>>) target_semaphore(%run_scoped3A : memref<!tpu.dma_semaphore, #tpu.memory_space<semaphore_mem>>)
      %dma_wait3A = arith.constant 0 : i32
      %dma_wait3A_292 = arith.constant 0 : i32
      %dma_wait3A_293 = tpu.memref_slice %arg6[%add3A, %dma_wait3A, %dma_wait3A_292] : memref<32x640x128xf32, #tpu.memory_space<hbm>> -> memref<1x640x128xf32, #tpu.memory_space<hbm>>
      %dma_wait3A_294 = tpu.memref_squeeze %dma_wait3A_293 : memref<1x640x128xf32, #tpu.memory_space<hbm>> -> memref<640x128xf32, #tpu.memory_space<hbm>>
      %dma_wait3A_295 = arith.constant 0 : i32
      %dma_wait3A_296 = tpu.memref_slice %arg11[%mul3A_284, %dma_wait3A_295] : memref<10240x128xf32, #tpu.memory_space<vmem_shared>> -> memref<640x128xf32, #tpu.memory_space<vmem_shared>>
      tpu.wait_dma2 semaphore(%run_scoped3A : memref<!tpu.dma_semaphore, #tpu.memory_space<semaphore_mem>>) src(%dma_wait3A_296 : memref<640x128xf32, #tpu.memory_space<vmem_shared>>) dst(%dma_wait3A_294 : memref<640x128xf32, #tpu.memory_space<hbm>>)
      tpu.yield
    }) : () -> ()
    %mul3A_285 = arith.constant 640 : i32
    %mul3A_286 = arith.muli %arg1, %mul3A_285 : i32
    "tpu.region"() ({
      %run_scoped3A = tpu.sem_alloc : memref<!tpu.dma_semaphore, #tpu.memory_space<semaphore_mem>>
      %dma_start3A = arith.constant 0 : i32
      %dma_start3A_287 = tpu.memref_slice %arg7[%add3A, %dma_start3A] : memref<32x640xf32, #tpu.memory_space<hbm>> -> memref<1x640xf32, #tpu.memory_space<hbm>>
      %dma_start3A_288 = tpu.memref_squeeze %dma_start3A_287 : memref<1x640xf32, #tpu.memory_space<hbm>> -> memref<640xf32, #tpu.memory_space<hbm>>
      %dma_start3A_289 = tpu.memref_slice %arg14[%mul3A_286] : memref<10240xf32, #tpu.memory_space<vmem_shared>> -> memref<640xf32, #tpu.memory_space<vmem_shared>>
      tpu.enqueue_dma source(%dma_start3A_289 : memref<640xf32, #tpu.memory_space<vmem_shared>>) target(%dma_start3A_288 : memref<640xf32, #tpu.memory_space<hbm>>) target_semaphore(%run_scoped3A : memref<!tpu.dma_semaphore, #tpu.memory_space<semaphore_mem>>)
      %dma_wait3A = arith.constant 0 : i32
      %dma_wait3A_290 = tpu.memref_slice %arg7[%add3A, %dma_wait3A] : memref<32x640xf32, #tpu.memory_space<hbm>> -> memref<1x640xf32, #tpu.memory_space<hbm>>
      %dma_wait3A_291 = tpu.memref_squeeze %dma_wait3A_290 : memref<1x640xf32, #tpu.memory_space<hbm>> -> memref<640xf32, #tpu.memory_space<hbm>>
      %dma_wait3A_292 = tpu.memref_slice %arg14[%mul3A_286] : memref<10240xf32, #tpu.memory_space<vmem_shared>> -> memref<640xf32, #tpu.memory_space<vmem_shared>>
      tpu.wait_dma2 semaphore(%run_scoped3A : memref<!tpu.dma_semaphore, #tpu.memory_space<semaphore_mem>>) src(%dma_wait3A_292 : memref<640xf32, #tpu.memory_space<vmem_shared>>) dst(%dma_wait3A_291 : memref<640xf32, #tpu.memory_space<hbm>>)
      tpu.yield
    }) : () -> ()
    return
  }
}

#map = affine_map<(d0, d1) -> (0, 0)>
#map1 = affine_map<(d0, d1) -> (0)>
#map2 = affine_map<(d0, d1) -> (0, 0, 0)>
module attributes {stable_mosaic.version = 14 : i64} {
  func.func @seg(%arg0: i32, %arg1: i32, %arg2: memref<20000x128xf32, #tpu.memory_space<hbm>>, %arg3: memref<640000xi32, #tpu.memory_space<hbm>>, %arg4: memref<640000xi32, #tpu.memory_space<hbm>>, %arg5: memref<10240x128xf32, #tpu.memory_space<hbm>>, %arg6: memref<32x640x128xf32, #tpu.memory_space<hbm>>, %arg7: memref<80xi32, #tpu.memory_space<vmem>>, %arg8: memref<80xi32, #tpu.memory_space<vmem>>, %arg9: memref<80x128xf32, #tpu.memory_space<vmem>>, %arg10: memref<10240x128xf32, #tpu.memory_space<vmem_shared>>, %arg11: memref<!tpu.dma_semaphore, #tpu.memory_space<semaphore_mem>>) attributes {dimension_semantics = [#tpu.dimension_semantics<core_parallel>, #tpu.dimension_semantics<subcore_parallel>], iteration_bounds = array<i64: 2, 16>, scalar_prefetch = 0 : i64, scratch_operands = 5 : i64, tpu.core_type = #tpu.core_type<sc_vector_subcore>, window_params = [{transform_indices = #map}, {transform_indices = #map1}, {transform_indices = #map1}, {transform_indices = #map}, {transform_indices = #map2}]} {
    %mul3A = arith.constant 16 : i32
    %mul3A_0 = arith.muli %arg0, %mul3A : i32
    %add3A = arith.addi %mul3A_0, %arg1 : i32
    %mul3A_1 = arith.constant 640 : i32
    %mul3A_2 = arith.muli %arg1, %mul3A_1 : i32
    %mul3A_3 = arith.constant 640 : i32
    %mul3A_4 = arith.muli %arg1, %mul3A_3 : i32
    "tpu.region"() ({
      %run_scoped3A = tpu.sem_alloc : memref<!tpu.dma_semaphore, #tpu.memory_space<semaphore_mem>>
      %dma_start3A = arith.constant 0 : i32
      %dma_start3A_15 = tpu.memref_slice %arg10[%mul3A_4, %dma_start3A] : memref<10240x128xf32, #tpu.memory_space<vmem_shared>> -> memref<640x128xf32, #tpu.memory_space<vmem_shared>>
      %dma_start3A_16 = arith.constant 0 : i32
      %dma_start3A_17 = tpu.memref_slice %arg5[%mul3A_2, %dma_start3A_16] : memref<10240x128xf32, #tpu.memory_space<hbm>> -> memref<640x128xf32, #tpu.memory_space<hbm>>
      tpu.enqueue_dma source(%dma_start3A_17 : memref<640x128xf32, #tpu.memory_space<hbm>>) target(%dma_start3A_15 : memref<640x128xf32, #tpu.memory_space<vmem_shared>>) target_semaphore(%run_scoped3A : memref<!tpu.dma_semaphore, #tpu.memory_space<semaphore_mem>>)
      %dma_wait3A = arith.constant 0 : i32
      %dma_wait3A_18 = tpu.memref_slice %arg10[%mul3A_4, %dma_wait3A] : memref<10240x128xf32, #tpu.memory_space<vmem_shared>> -> memref<640x128xf32, #tpu.memory_space<vmem_shared>>
      %dma_wait3A_19 = arith.constant 0 : i32
      %dma_wait3A_20 = tpu.memref_slice %arg5[%mul3A_2, %dma_wait3A_19] : memref<10240x128xf32, #tpu.memory_space<hbm>> -> memref<640x128xf32, #tpu.memory_space<hbm>>
      tpu.wait_dma2 semaphore(%run_scoped3A : memref<!tpu.dma_semaphore, #tpu.memory_space<semaphore_mem>>) src(%dma_wait3A_20 : memref<640x128xf32, #tpu.memory_space<hbm>>) dst(%dma_wait3A_18 : memref<640x128xf32, #tpu.memory_space<vmem_shared>>)
      tpu.yield
    }) : () -> ()
    %barrier3A = arith.constant 0 : index
    tpu.barrier barrier_id(%barrier3A)
    %mul3A_5 = arith.constant 20000 : i32
    %mul3A_6 = arith.muli %add3A, %mul3A_5 : i32
    %scan3A = arith.constant 0 : i32
    %scan3A_7 = arith.constant 0 : i32
    %scan3A_8 = arith.constant 250 : i32
    %scan3A_9 = arith.addi %scan3A_7, %scan3A_8 : i32
    %scan3A_10 = arith.constant 1 : i32
    scf.for %scan3A_15 = %scan3A_7 to %scan3A_9 step %scan3A_10  : i32 {
      %mul3A_16 = arith.constant 80 : i32
      %mul3A_17 = arith.muli %scan3A_15, %mul3A_16 : i32
      %add3A_18 = arith.addi %mul3A_6, %mul3A_17 : i32
      "tpu.region"() ({
        %run_scoped3A = tpu.sem_alloc : memref<!tpu.dma_semaphore, #tpu.memory_space<semaphore_mem>>
        %dma_start3A_23 = tpu.memref_slice %arg3[%add3A_18] : memref<640000xi32, #tpu.memory_space<hbm>> -> memref<80xi32, #tpu.memory_space<hbm>>
        %dma_start3A_24 = tpu.memref_slice %arg3[%add3A_18] : memref<640000xi32, #tpu.memory_space<hbm>> -> memref<80xi32, #tpu.memory_space<hbm>>
        tpu.enqueue_dma source(%dma_start3A_24 : memref<80xi32, #tpu.memory_space<hbm>>) target(%arg7 : memref<80xi32, #tpu.memory_space<vmem>>) target_semaphore(%run_scoped3A : memref<!tpu.dma_semaphore, #tpu.memory_space<semaphore_mem>>)
        %dma_wait3A_25 = tpu.memref_slice %arg3[%add3A_18] : memref<640000xi32, #tpu.memory_space<hbm>> -> memref<80xi32, #tpu.memory_space<hbm>>
        %dma_wait3A_26 = tpu.memref_slice %arg3[%add3A_18] : memref<640000xi32, #tpu.memory_space<hbm>> -> memref<80xi32, #tpu.memory_space<hbm>>
        tpu.wait_dma2 semaphore(%run_scoped3A : memref<!tpu.dma_semaphore, #tpu.memory_space<semaphore_mem>>) src(%dma_wait3A_26 : memref<80xi32, #tpu.memory_space<hbm>>) dst(%arg7 : memref<80xi32, #tpu.memory_space<vmem>>)
        tpu.yield
      }) : () -> ()
      "tpu.region"() ({
        %run_scoped3A = tpu.sem_alloc : memref<!tpu.dma_semaphore, #tpu.memory_space<semaphore_mem>>
        %dma_start3A_23 = tpu.memref_slice %arg4[%add3A_18] : memref<640000xi32, #tpu.memory_space<hbm>> -> memref<80xi32, #tpu.memory_space<hbm>>
        %dma_start3A_24 = tpu.memref_slice %arg4[%add3A_18] : memref<640000xi32, #tpu.memory_space<hbm>> -> memref<80xi32, #tpu.memory_space<hbm>>
        tpu.enqueue_dma source(%dma_start3A_24 : memref<80xi32, #tpu.memory_space<hbm>>) target(%arg8 : memref<80xi32, #tpu.memory_space<vmem>>) target_semaphore(%run_scoped3A : memref<!tpu.dma_semaphore, #tpu.memory_space<semaphore_mem>>)
        %dma_wait3A_25 = tpu.memref_slice %arg4[%add3A_18] : memref<640000xi32, #tpu.memory_space<hbm>> -> memref<80xi32, #tpu.memory_space<hbm>>
        %dma_wait3A_26 = tpu.memref_slice %arg4[%add3A_18] : memref<640000xi32, #tpu.memory_space<hbm>> -> memref<80xi32, #tpu.memory_space<hbm>>
        tpu.wait_dma2 semaphore(%run_scoped3A : memref<!tpu.dma_semaphore, #tpu.memory_space<semaphore_mem>>) src(%dma_wait3A_26 : memref<80xi32, #tpu.memory_space<hbm>>) dst(%arg8 : memref<80xi32, #tpu.memory_space<vmem>>)
        tpu.yield
      }) : () -> ()
      %dma_start3A = arith.constant 0 : i32
      %dma_start3A_19 = arith.constant 0 : i32
      %dma_start3A_20 = tpu.memref_slice %arg2[%dma_start3A, %dma_start3A_19] : memref<20000x128xf32, #tpu.memory_space<hbm>> -> memref<20000x128xf32, #tpu.memory_space<hbm>>
      tpu.enqueue_indirect_dma source(%dma_start3A_20 : memref<20000x128xf32, #tpu.memory_space<hbm>>) target(%arg9 : memref<80x128xf32, #tpu.memory_space<vmem>>) offsets(%arg7 : memref<80xi32, #tpu.memory_space<vmem>>) semaphore(%arg11 : memref<!tpu.dma_semaphore, #tpu.memory_space<semaphore_mem>>)
      %dma_wait3A = arith.constant 0 : i32
      %dma_wait3A_21 = arith.constant 0 : i32
      %dma_wait3A_22 = tpu.memref_slice %arg2[%dma_wait3A, %dma_wait3A_21] : memref<20000x128xf32, #tpu.memory_space<hbm>> -> memref<20000x128xf32, #tpu.memory_space<hbm>>
      tpu.wait_indirect_dma semaphore(%arg11 : memref<!tpu.dma_semaphore, #tpu.memory_space<semaphore_mem>>) src(%dma_wait3A_22 : memref<20000x128xf32, #tpu.memory_space<hbm>>) dst(%arg9 : memref<80x128xf32, #tpu.memory_space<vmem>>)
      "tpu.region"() ({
        %run_scoped3A = tpu.sem_alloc : memref<!tpu.dma_semaphore, #tpu.memory_space<semaphore_mem>>
        %dma_start3A_23 = arith.constant 0 : i32
        %dma_start3A_24 = arith.constant 0 : i32
        %dma_start3A_25 = tpu.memref_slice %arg10[%dma_start3A_23, %dma_start3A_24] : memref<10240x128xf32, #tpu.memory_space<vmem_shared>> -> memref<10240x128xf32, #tpu.memory_space<vmem_shared>>
        tpu.enqueue_indirect_dma source(%arg9 : memref<80x128xf32, #tpu.memory_space<vmem>>) target(%dma_start3A_25 : memref<10240x128xf32, #tpu.memory_space<vmem_shared>>) offsets(%arg8 : memref<80xi32, #tpu.memory_space<vmem>>) semaphore(%run_scoped3A : memref<!tpu.dma_semaphore, #tpu.memory_space<semaphore_mem>>) {add = true}
        %dma_wait3A_26 = arith.constant 0 : i32
        %dma_wait3A_27 = arith.constant 0 : i32
        %dma_wait3A_28 = tpu.memref_slice %arg10[%dma_wait3A_26, %dma_wait3A_27] : memref<10240x128xf32, #tpu.memory_space<vmem_shared>> -> memref<10240x128xf32, #tpu.memory_space<vmem_shared>>
        tpu.wait_indirect_dma semaphore(%run_scoped3A : memref<!tpu.dma_semaphore, #tpu.memory_space<semaphore_mem>>) src(%arg9 : memref<80x128xf32, #tpu.memory_space<vmem>>) dst(%dma_wait3A_28 : memref<10240x128xf32, #tpu.memory_space<vmem_shared>>)
        tpu.yield
      }) : () -> ()
    }
    %scan3A_11 = arith.constant 250 : i32
    %barrier3A_12 = arith.constant 0 : index
    tpu.barrier barrier_id(%barrier3A_12)
    %mul3A_13 = arith.constant 640 : i32
    %mul3A_14 = arith.muli %arg1, %mul3A_13 : i32
    "tpu.region"() ({
      %run_scoped3A = tpu.sem_alloc : memref<!tpu.dma_semaphore, #tpu.memory_space<semaphore_mem>>
      %dma_start3A = arith.constant 0 : i32
      %dma_start3A_15 = arith.constant 0 : i32
      %dma_start3A_16 = tpu.memref_slice %arg6[%add3A, %dma_start3A, %dma_start3A_15] : memref<32x640x128xf32, #tpu.memory_space<hbm>> -> memref<1x640x128xf32, #tpu.memory_space<hbm>>
      %dma_start3A_17 = tpu.memref_squeeze %dma_start3A_16 : memref<1x640x128xf32, #tpu.memory_space<hbm>> -> memref<640x128xf32, #tpu.memory_space<hbm>>
      %dma_start3A_18 = arith.constant 0 : i32
      %dma_start3A_19 = tpu.memref_slice %arg10[%mul3A_14, %dma_start3A_18] : memref<10240x128xf32, #tpu.memory_space<vmem_shared>> -> memref<640x128xf32, #tpu.memory_space<vmem_shared>>
      tpu.enqueue_dma source(%dma_start3A_19 : memref<640x128xf32, #tpu.memory_space<vmem_shared>>) target(%dma_start3A_17 : memref<640x128xf32, #tpu.memory_space<hbm>>) target_semaphore(%run_scoped3A : memref<!tpu.dma_semaphore, #tpu.memory_space<semaphore_mem>>)
      %dma_wait3A = arith.constant 0 : i32
      %dma_wait3A_20 = arith.constant 0 : i32
      %dma_wait3A_21 = tpu.memref_slice %arg6[%add3A, %dma_wait3A, %dma_wait3A_20] : memref<32x640x128xf32, #tpu.memory_space<hbm>> -> memref<1x640x128xf32, #tpu.memory_space<hbm>>
      %dma_wait3A_22 = tpu.memref_squeeze %dma_wait3A_21 : memref<1x640x128xf32, #tpu.memory_space<hbm>> -> memref<640x128xf32, #tpu.memory_space<hbm>>
      %dma_wait3A_23 = arith.constant 0 : i32
      %dma_wait3A_24 = tpu.memref_slice %arg10[%mul3A_14, %dma_wait3A_23] : memref<10240x128xf32, #tpu.memory_space<vmem_shared>> -> memref<640x128xf32, #tpu.memory_space<vmem_shared>>
      tpu.wait_dma2 semaphore(%run_scoped3A : memref<!tpu.dma_semaphore, #tpu.memory_space<semaphore_mem>>) src(%dma_wait3A_24 : memref<640x128xf32, #tpu.memory_space<vmem_shared>>) dst(%dma_wait3A_22 : memref<640x128xf32, #tpu.memory_space<hbm>>)
      tpu.yield
    }) : () -> ()
    return
  }
}

module attributes {stable_mosaic.version = 14 : i64} {
  func.func @_dense1_body(%arg0: i32, %arg1: memref<1000x128xf32, #tpu.memory_space<vmem>>, %arg2: memref<1000x128xf32, #tpu.memory_space<vmem>>, %arg3: memref<1000x128xf32, #tpu.memory_space<vmem>>, %arg4: memref<1000x1xf32, #tpu.memory_space<vmem>>, %arg5: memref<1000x1xf32, #tpu.memory_space<vmem>>, %arg6: memref<512x128xf32, #tpu.memory_space<vmem>>, %arg7: memref<1x512xf32, #tpu.memory_space<vmem>>, %arg8: memref<512x128xf32, #tpu.memory_space<vmem>>, %arg9: memref<256x512xf32, #tpu.memory_space<vmem>>, %arg10: memref<256x512xf32, #tpu.memory_space<vmem>>, %arg11: memref<1x256xf32, #tpu.memory_space<vmem>>, %arg12: memref<2x1000x128xf32, #tpu.memory_space<vmem>>, %arg13: memref<1000x256xf32, #tpu.memory_space<vmem>>, %arg14: memref<1000x1xf32, #tpu.memory_space<vmem>>) attributes {dimension_semantics = [#tpu.dimension_semantics<arbitrary>], iteration_bounds = array<i64: 10>, scalar_prefetch = 0 : i64, scratch_operands = 0 : i64, tpu.core_type = #tpu.core_type<tc>, window_params = [{transform_indices = @transform_0, window_bounds = array<i64: 1000, 128>}, {transform_indices = @transform_1, window_bounds = array<i64: 1000, 128>}, {transform_indices = @transform_2, window_bounds = array<i64: 1000, 128>}, {transform_indices = @transform_3, window_bounds = array<i64: 1000, 1>}, {transform_indices = @transform_4, window_bounds = array<i64: 1000, 1>}, {pipeline_mode = #tpu.pipeline_mode<synchronous>, transform_indices = @transform_5, window_bounds = array<i64: 512, 128>}, {pipeline_mode = #tpu.pipeline_mode<synchronous>, transform_indices = @transform_6, window_bounds = array<i64: 1, 512>}, {pipeline_mode = #tpu.pipeline_mode<synchronous>, transform_indices = @transform_7, window_bounds = array<i64: 512, 128>}, {pipeline_mode = #tpu.pipeline_mode<synchronous>, transform_indices = @transform_8, window_bounds = array<i64: 256, 512>}, {pipeline_mode = #tpu.pipeline_mode<synchronous>, transform_indices = @transform_9, window_bounds = array<i64: 256, 512>}, {pipeline_mode = #tpu.pipeline_mode<synchronous>, transform_indices = @transform_10, window_bounds = array<i64: 1, 256>}, {transform_indices = @transform_11, window_bounds = array<i64: 2, 1000, 128>}, {transform_indices = @transform_12, window_bounds = array<i64: 1000, 256>}, {transform_indices = @transform_13, window_bounds = array<i64: 1000, 1>}]} {
    %get3A = arith.constant 0 : index
    %get3A_0 = arith.constant 0 : index
    %get3A_1 = vector.load %arg4[%get3A, %get3A_0] : memref<1000x1xf32, #tpu.memory_space<vmem>>, vector<1000x1xf32>
    %get3A_2 = arith.constant 0 : index
    %get3A_3 = arith.constant 0 : index
    %get3A_4 = vector.load %arg5[%get3A_2, %get3A_3] : memref<1000x1xf32, #tpu.memory_space<vmem>>, vector<1000x1xf32>
    %add3A = arith.addf %get3A_1, %get3A_4 : vector<1000x1xf32>
    %max3A = arith.constant 1.000000e+00 : f32
    %max3A_5 = vector.broadcast %max3A : f32 to vector<1000x1xf32>
    %max3A_6 = arith.maximumf %add3A, %max3A_5 : vector<1000x1xf32>
    %div3A = arith.constant 1.000000e+00 : f32
    %div3A_7 = vector.broadcast %div3A : f32 to vector<1000x1xf32>
    %div3A_8 = arith.divf %div3A_7, %max3A_6 : vector<1000x1xf32>
    %get3A_9 = arith.constant 0 : index
    %get3A_10 = arith.constant 0 : index
    %get3A_11 = vector.load %arg2[%get3A_9, %get3A_10] : memref<1000x128xf32, #tpu.memory_space<vmem>>, vector<1000x128xf32>
    %get3A_12 = arith.constant 0 : index
    %get3A_13 = arith.constant 0 : index
    %get3A_14 = vector.load %arg3[%get3A_12, %get3A_13] : memref<1000x128xf32, #tpu.memory_space<vmem>>, vector<1000x128xf32>
    %add3A_15 = arith.addf %get3A_11, %get3A_14 : vector<1000x128xf32>
    %mul3A = vector.broadcast %div3A_8 : vector<1000x1xf32> to vector<1000x128xf32>
    %mul3A_16 = arith.mulf %add3A_15, %mul3A : vector<1000x128xf32>
    %get3A_17 = arith.constant 0 : index
    %get3A_18 = arith.constant 0 : index
    %get3A_19 = vector.load %arg6[%get3A_17, %get3A_18] : memref<512x128xf32, #tpu.memory_space<vmem>>, vector<512x128xf32>
    %dot_general3A = arith.constant dense<0.000000e+00> : vector<1000x512xf32>
    %dot_general3A_20 = tpu.matmul %mul3A_16, %get3A_19, %dot_general3A {dimension_numbers = #tpu.dot_dimension_numbers<[1], [1], [0], [0], [0, 0, 1, 0], [], []>, transpose_lhs_hint = false} : vector<1000x128xf32>, vector<512x128xf32>, vector<1000x512xf32> -> vector<1000x512xf32>
    %get3A_21 = arith.constant 0 : index
    %get3A_22 = arith.constant 0 : index
    %get3A_23 = vector.load %arg7[%get3A_21, %get3A_22] : memref<1x512xf32, #tpu.memory_space<vmem>>, vector<1x512xf32>
    %add3A_24 = vector.broadcast %get3A_23 : vector<1x512xf32> to vector<1000x512xf32>
    %add3A_25 = arith.addf %dot_general3A_20, %add3A_24 : vector<1000x512xf32>
    %get3A_26 = arith.constant 0 : index
    %get3A_27 = arith.constant 0 : index
    %get3A_28 = vector.load %arg1[%get3A_26, %get3A_27] : memref<1000x128xf32, #tpu.memory_space<vmem>>, vector<1000x128xf32>
    %get3A_29 = arith.constant 0 : index
    %get3A_30 = arith.constant 0 : index
    %get3A_31 = vector.load %arg8[%get3A_29, %get3A_30] : memref<512x128xf32, #tpu.memory_space<vmem>>, vector<512x128xf32>
    %dot_general3A_32 = arith.constant dense<0.000000e+00> : vector<1000x512xf32>
    %dot_general3A_33 = tpu.matmul %get3A_28, %get3A_31, %dot_general3A_32 {dimension_numbers = #tpu.dot_dimension_numbers<[1], [1], [0], [0], [0, 0, 1, 0], [], []>, transpose_lhs_hint = false} : vector<1000x128xf32>, vector<512x128xf32>, vector<1000x512xf32> -> vector<1000x512xf32>
    %add3A_34 = arith.addf %add3A_25, %dot_general3A_33 : vector<1000x512xf32>
    %mul3A_35 = arith.mulf %add3A_34, %add3A_34 : vector<1000x512xf32>
    %reduce_sum3A = arith.constant dense<0.000000e+00> : vector<1000xf32>
    %reduce_sum3A_36 = vector.multi_reduction <add>, %mul3A_35, %reduce_sum3A [1] : vector<1000x512xf32> to vector<1000xf32>
    %broadcast_in_dim3A = vector.shape_cast %reduce_sum3A_36 : vector<1000xf32> to vector<1000x1xf32>
    %sqrt3A = math.sqrt %broadcast_in_dim3A : vector<1000x1xf32>
    %max3A_37 = arith.constant 9.99999996E-13 : f32
    %max3A_38 = vector.broadcast %max3A_37 : f32 to vector<1000x1xf32>
    %max3A_39 = arith.maximumf %sqrt3A, %max3A_38 : vector<1000x1xf32>
    %div3A_40 = vector.broadcast %max3A_39 : vector<1000x1xf32> to vector<1000x512xf32>
    %div3A_41 = arith.divf %add3A_34, %div3A_40 : vector<1000x512xf32>
    %gt3A = arith.constant 0.000000e+00 : f32
    %gt3A_42 = vector.broadcast %gt3A : f32 to vector<1000x512xf32>
    %gt3A_43 = arith.cmpf ogt, %div3A_41, %gt3A_42 : vector<1000x512xf32>
    %exp3A = math.exp %div3A_41 : vector<1000x512xf32>
    %sub3A = arith.constant 1.000000e+00 : f32
    %sub3A_44 = vector.broadcast %sub3A : f32 to vector<1000x512xf32>
    %sub3A_45 = arith.subf %exp3A, %sub3A_44 : vector<1000x512xf32>
    %select_n3A = arith.select %gt3A_43, %div3A_41, %sub3A_45 : vector<1000x512xi1>, vector<1000x512xf32>
    %get3A_46 = arith.constant 0 : index
    %get3A_47 = arith.constant 0 : index
    %get3A_48 = vector.load %arg9[%get3A_46, %get3A_47] : memref<256x512xf32, #tpu.memory_space<vmem>>, vector<256x512xf32>
    %dot_general3A_49 = arith.constant dense<0.000000e+00> : vector<1000x256xf32>
    %dot_general3A_50 = tpu.matmul %select_n3A, %get3A_48, %dot_general3A_49 {dimension_numbers = #tpu.dot_dimension_numbers<[1], [1], [0], [0], [0, 0, 1, 0], [], []>, transpose_lhs_hint = false} : vector<1000x512xf32>, vector<256x512xf32>, vector<1000x256xf32> -> vector<1000x256xf32>
    %get3A_51 = arith.constant 0 : index
    %get3A_52 = arith.constant 0 : index
    %get3A_53 = vector.load %arg10[%get3A_51, %get3A_52] : memref<256x512xf32, #tpu.memory_space<vmem>>, vector<256x512xf32>
    %dot_general3A_54 = arith.constant dense<0.000000e+00> : vector<1000x256xf32>
    %dot_general3A_55 = tpu.matmul %select_n3A, %get3A_53, %dot_general3A_54 {dimension_numbers = #tpu.dot_dimension_numbers<[1], [1], [0], [0], [0, 0, 1, 0], [], []>, transpose_lhs_hint = false} : vector<1000x512xf32>, vector<256x512xf32>, vector<1000x256xf32> -> vector<1000x256xf32>
    %get3A_56 = arith.constant 0 : index
    %get3A_57 = arith.constant 0 : index
    %get3A_58 = vector.load %arg11[%get3A_56, %get3A_57] : memref<1x256xf32, #tpu.memory_space<vmem>>, vector<1x256xf32>
    %add3A_59 = vector.broadcast %get3A_58 : vector<1x256xf32> to vector<1000x256xf32>
    %add3A_60 = arith.addf %dot_general3A_55, %add3A_59 : vector<1000x256xf32>
    %slice3A = vector.extract_strided_slice %dot_general3A_50 {offsets = [0, 0], sizes = [1000, 128], strides = [1, 1]} : vector<1000x256xf32> to vector<1000x128xf32>
    %slice3A_61 = vector.extract_strided_slice %dot_general3A_50 {offsets = [0, 128], sizes = [1000, 128], strides = [1, 1]} : vector<1000x256xf32> to vector<1000x128xf32>
    %stack3A = vector.shape_cast %slice3A : vector<1000x128xf32> to vector<1x1000x128xf32>
    %stack3A_62 = vector.shape_cast %slice3A_61 : vector<1000x128xf32> to vector<1x1000x128xf32>
    %stack3A_63 = tpu.concatenate %stack3A, %stack3A_62 in 0 : vector<1x1000x128xf32>, vector<1x1000x128xf32> -> vector<2x1000x128xf32>
    %swap3A = arith.constant 0 : index
    %swap3A_64 = arith.constant 0 : index
    %swap3A_65 = arith.constant 0 : index
    %swap3A_66 = vector.load %arg12[%swap3A, %swap3A_64, %swap3A_65] : memref<2x1000x128xf32, #tpu.memory_space<vmem>>, vector<2x1000x128xf32>
    tpu.vector_store %arg12[%swap3A, %swap3A_64, %swap3A_65], %stack3A_63 {strides = array<i32>} : memref<2x1000x128xf32, #tpu.memory_space<vmem>>, vector<2x1000x128xf32>,
    %swap3A_67 = arith.constant 0 : index
    %swap3A_68 = arith.constant 0 : index
    %swap3A_69 = vector.load %arg13[%swap3A_67, %swap3A_68] : memref<1000x256xf32, #tpu.memory_space<vmem>>, vector<1000x256xf32>
    tpu.vector_store %arg13[%swap3A_67, %swap3A_68], %add3A_60 {strides = array<i32>} : memref<1000x256xf32, #tpu.memory_space<vmem>>, vector<1000x256xf32>,
    %swap3A_70 = arith.constant 0 : index
    %swap3A_71 = arith.constant 0 : index
    %swap3A_72 = vector.load %arg14[%swap3A_70, %swap3A_71] : memref<1000x1xf32, #tpu.memory_space<vmem>>, vector<1000x1xf32>
    tpu.vector_store %arg14[%swap3A_70, %swap3A_71], %div3A_8 {strides = array<i32>} : memref<1000x1xf32, #tpu.memory_space<vmem>>, vector<1000x1xf32>,
    return
  }
  func.func @transform_0(%arg0: i32) -> (i32, i32) {
    %c0_i32 = arith.constant 0 : i32
    %c0_i32_0 = arith.constant 0 : i32
    return %arg0, %c0_i32 : i32, i32
  }
  func.func @transform_1(%arg0: i32) -> (i32, i32) {
    %c0_i32 = arith.constant 0 : i32
    %c0_i32_0 = arith.constant 0 : i32
    return %arg0, %c0_i32 : i32, i32
  }
  func.func @transform_2(%arg0: i32) -> (i32, i32) {
    %c0_i32 = arith.constant 0 : i32
    %c0_i32_0 = arith.constant 0 : i32
    return %arg0, %c0_i32 : i32, i32
  }
  func.func @transform_3(%arg0: i32) -> (i32, i32) {
    %c0_i32 = arith.constant 0 : i32
    %c0_i32_0 = arith.constant 0 : i32
    return %arg0, %c0_i32 : i32, i32
  }
  func.func @transform_4(%arg0: i32) -> (i32, i32) {
    %c0_i32 = arith.constant 0 : i32
    %c0_i32_0 = arith.constant 0 : i32
    return %arg0, %c0_i32 : i32, i32
  }
  func.func @transform_5(%arg0: i32) -> (i32, i32) {
    %c0_i32 = arith.constant 0 : i32
    %c0_i32_0 = arith.constant 0 : i32
    %c0_i32_1 = arith.constant 0 : i32
    return %c0_i32, %c0_i32_0 : i32, i32
  }
  func.func @transform_6(%arg0: i32) -> (i32, i32) {
    %c0_i32 = arith.constant 0 : i32
    %c0_i32_0 = arith.constant 0 : i32
    %c0_i32_1 = arith.constant 0 : i32
    return %c0_i32, %c0_i32_0 : i32, i32
  }
  func.func @transform_7(%arg0: i32) -> (i32, i32) {
    %c0_i32 = arith.constant 0 : i32
    %c0_i32_0 = arith.constant 0 : i32
    %c0_i32_1 = arith.constant 0 : i32
    return %c0_i32, %c0_i32_0 : i32, i32
  }
  func.func @transform_8(%arg0: i32) -> (i32, i32) {
    %c0_i32 = arith.constant 0 : i32
    %c0_i32_0 = arith.constant 0 : i32
    %c0_i32_1 = arith.constant 0 : i32
    return %c0_i32, %c0_i32_0 : i32, i32
  }
  func.func @transform_9(%arg0: i32) -> (i32, i32) {
    %c0_i32 = arith.constant 0 : i32
    %c0_i32_0 = arith.constant 0 : i32
    %c0_i32_1 = arith.constant 0 : i32
    return %c0_i32, %c0_i32_0 : i32, i32
  }
  func.func @transform_10(%arg0: i32) -> (i32, i32) {
    %c0_i32 = arith.constant 0 : i32
    %c0_i32_0 = arith.constant 0 : i32
    %c0_i32_1 = arith.constant 0 : i32
    return %c0_i32, %c0_i32_0 : i32, i32
  }
  func.func @transform_11(%arg0: i32) -> (i32, i32, i32) {
    %c0_i32 = arith.constant 0 : i32
    %c0_i32_0 = arith.constant 0 : i32
    %c0_i32_1 = arith.constant 0 : i32
    return %c0_i32, %arg0, %c0_i32_0 : i32, i32, i32
  }
  func.func @transform_12(%arg0: i32) -> (i32, i32) {
    %c0_i32 = arith.constant 0 : i32
    %c0_i32_0 = arith.constant 0 : i32
    return %arg0, %c0_i32 : i32, i32
  }
  func.func @transform_13(%arg0: i32) -> (i32, i32) {
    %c0_i32 = arith.constant 0 : i32
    %c0_i32_0 = arith.constant 0 : i32
    return %arg0, %c0_i32 : i32, i32
  }
}

module attributes {stable_mosaic.version = 14 : i64} {
  func.func @_dense2_body(%arg0: i32, %arg1: memref<1000x128xf32, #tpu.memory_space<vmem>>, %arg2: memref<1000x128xf32, #tpu.memory_space<vmem>>, %arg3: memref<1000x1xf32, #tpu.memory_space<vmem>>, %arg4: memref<1000x256xf32, #tpu.memory_space<vmem>>, %arg5: memref<128x256xf32, #tpu.memory_space<vmem>>, %arg6: memref<1x128xf32, #tpu.memory_space<vmem>>, %arg7: memref<1x128xf32, #tpu.memory_space<vmem>>, %arg8: memref<8x256xf32, #tpu.memory_space<vmem>>) attributes {dimension_semantics = [#tpu.dimension_semantics<arbitrary>], iteration_bounds = array<i64: 10>, scalar_prefetch = 0 : i64, scratch_operands = 1 : i64, tpu.core_type = #tpu.core_type<tc>, window_params = [{transform_indices = @transform_0, window_bounds = array<i64: 1000, 128>}, {transform_indices = @transform_1, window_bounds = array<i64: 1000, 128>}, {transform_indices = @transform_2, window_bounds = array<i64: 1000, 1>}, {transform_indices = @transform_3, window_bounds = array<i64: 1000, 256>}, {pipeline_mode = #tpu.pipeline_mode<synchronous>, transform_indices = @transform_4, window_bounds = array<i64: 128, 256>}, {pipeline_mode = #tpu.pipeline_mode<synchronous>, transform_indices = @transform_5, window_bounds = array<i64: 1, 128>}, {pipeline_mode = #tpu.pipeline_mode<synchronous>, transform_indices = @transform_6, window_bounds = array<i64: 1, 128>}]} {
    %get3A = arith.constant 0 : index
    %get3A_0 = arith.constant 0 : index
    %get3A_1 = vector.load %arg1[%get3A, %get3A_0] : memref<1000x128xf32, #tpu.memory_space<vmem>>, vector<1000x128xf32>
    %get3A_2 = arith.constant 0 : index
    %get3A_3 = arith.constant 0 : index
    %get3A_4 = vector.load %arg2[%get3A_2, %get3A_3] : memref<1000x128xf32, #tpu.memory_space<vmem>>, vector<1000x128xf32>
    %concatenate3A = tpu.concatenate %get3A_1, %get3A_4 in 1 : vector<1000x128xf32>, vector<1000x128xf32> -> vector<1000x256xf32>
    %get3A_5 = arith.constant 0 : index
    %get3A_6 = arith.constant 0 : index
    %get3A_7 = vector.load %arg3[%get3A_5, %get3A_6] : memref<1000x1xf32, #tpu.memory_space<vmem>>, vector<1000x1xf32>
    %mul3A = vector.broadcast %get3A_7 : vector<1000x1xf32> to vector<1000x256xf32>
    %mul3A_8 = arith.mulf %concatenate3A, %mul3A : vector<1000x256xf32>
    %get3A_9 = arith.constant 0 : index
    %get3A_10 = arith.constant 0 : index
    %get3A_11 = vector.load %arg4[%get3A_9, %get3A_10] : memref<1000x256xf32, #tpu.memory_space<vmem>>, vector<1000x256xf32>
    %add3A = arith.addf %mul3A_8, %get3A_11 : vector<1000x256xf32>
    %mul3A_12 = arith.mulf %add3A, %add3A : vector<1000x256xf32>
    %reduce_sum3A = arith.constant dense<0.000000e+00> : vector<1000xf32>
    %reduce_sum3A_13 = vector.multi_reduction <add>, %mul3A_12, %reduce_sum3A [1] : vector<1000x256xf32> to vector<1000xf32>
    %broadcast_in_dim3A = vector.shape_cast %reduce_sum3A_13 : vector<1000xf32> to vector<1000x1xf32>
    %sqrt3A = math.sqrt %broadcast_in_dim3A : vector<1000x1xf32>
    %max3A = arith.constant 9.99999996E-13 : f32
    %max3A_14 = vector.broadcast %max3A : f32 to vector<1000x1xf32>
    %max3A_15 = arith.maximumf %sqrt3A, %max3A_14 : vector<1000x1xf32>
    %div3A = vector.broadcast %max3A_15 : vector<1000x1xf32> to vector<1000x256xf32>
    %div3A_16 = arith.divf %add3A, %div3A : vector<1000x256xf32>
    %gt3A = arith.constant 0.000000e+00 : f32
    %gt3A_17 = vector.broadcast %gt3A : f32 to vector<1000x256xf32>
    %gt3A_18 = arith.cmpf ogt, %div3A_16, %gt3A_17 : vector<1000x256xf32>
    %exp3A = math.exp %div3A_16 : vector<1000x256xf32>
    %sub3A = arith.constant 1.000000e+00 : f32
    %sub3A_19 = vector.broadcast %sub3A : f32 to vector<1000x256xf32>
    %sub3A_20 = arith.subf %exp3A, %sub3A_19 : vector<1000x256xf32>
    %select_n3A = arith.select %gt3A_18, %div3A_16, %sub3A_20 : vector<1000x256xi1>, vector<1000x256xf32>
    %reduce_max3A = arith.constant dense<0xFF800000> : vector<256xf32>
    %reduce_max3A_21 = vector.multi_reduction <maximumf>, %select_n3A, %reduce_max3A [0] : vector<1000x256xf32> to vector<256xf32>
    %broadcast_in_dim3A_22 = vector.shape_cast %reduce_max3A_21 : vector<256xf32> to vector<1x256xf32>
    %eq3A = arith.constant 0 : i32
    %eq3A_23 = arith.cmpi eq, %arg0, %eq3A : i32
    %convert_element_type3A = arith.extui %eq3A_23 : i1 to i32
    %cond3A = arith.constant 0 : i32
    %cond3A_24 = arith.cmpi ne, %convert_element_type3A, %cond3A : i32
    scf.if %cond3A_24 {
      %broadcast_in_dim3A_35 = vector.shape_cast %broadcast_in_dim3A_22 : vector<1x256xf32> to vector<1x256xf32>
      %broadcast_in_dim3A_36 = vector.broadcast %broadcast_in_dim3A_35 : vector<1x256xf32> to vector<8x256xf32>
      %swap3A = arith.constant 0 : index
      %swap3A_37 = arith.constant 0 : index
      %swap3A_38 = vector.load %arg8[%swap3A, %swap3A_37] : memref<8x256xf32, #tpu.memory_space<vmem>>, vector<8x256xf32>
      tpu.vector_store %arg8[%swap3A, %swap3A_37], %broadcast_in_dim3A_36 {strides = array<i32>} : memref<8x256xf32, #tpu.memory_space<vmem>>, vector<8x256xf32>,
    } else {
    }
    %gt3A_25 = arith.constant 0 : i32
    %gt3A_26 = arith.cmpi sgt, %arg0, %gt3A_25 : i32
    %convert_element_type3A_27 = arith.extui %gt3A_26 : i1 to i32
    %cond3A_28 = arith.constant 0 : i32
    %cond3A_29 = arith.cmpi ne, %convert_element_type3A_27, %cond3A_28 : i32
    scf.if %cond3A_29 {
      %get3A_35 = arith.constant 0 : index
      %get3A_36 = arith.constant 0 : index
      %get3A_37 = vector.load %arg8[%get3A_35, %get3A_36] : memref<8x256xf32, #tpu.memory_space<vmem>>, vector<8x256xf32>
      %max3A_38 = vector.broadcast %broadcast_in_dim3A_22 : vector<1x256xf32> to vector<8x256xf32>
      %max3A_39 = arith.maximumf %get3A_37, %max3A_38 : vector<8x256xf32>
      %swap3A = arith.constant 0 : index
      %swap3A_40 = arith.constant 0 : index
      %swap3A_41 = vector.load %arg8[%swap3A, %swap3A_40] : memref<8x256xf32, #tpu.memory_space<vmem>>, vector<8x256xf32>
      tpu.vector_store %arg8[%swap3A, %swap3A_40], %max3A_39 {strides = array<i32>} : memref<8x256xf32, #tpu.memory_space<vmem>>, vector<8x256xf32>,
    } else {
    }
    %eq3A_30 = arith.constant 9 : i32
    %eq3A_31 = arith.cmpi eq, %arg0, %eq3A_30 : i32
    %convert_element_type3A_32 = arith.extui %eq3A_31 : i1 to i32
    %cond3A_33 = arith.constant 0 : i32
    %cond3A_34 = arith.cmpi ne, %convert_element_type3A_32, %cond3A_33 : i32
    scf.if %cond3A_34 {
      %get3A_35 = arith.constant 0 : index
      %get3A_36 = arith.constant 0 : index
      %get3A_37 = vector.load %arg8[%get3A_35, %get3A_36] : memref<8x256xf32, #tpu.memory_space<vmem>>, vector<1x256xf32>
      %gt3A_38 = arith.constant 0.000000e+00 : f32
      %gt3A_39 = vector.broadcast %gt3A_38 : f32 to vector<1x256xf32>
      %gt3A_40 = arith.cmpf ogt, %get3A_37, %gt3A_39 : vector<1x256xf32>
      %exp3A_41 = math.exp %get3A_37 : vector<1x256xf32>
      %sub3A_42 = arith.constant 1.000000e+00 : f32
      %sub3A_43 = vector.broadcast %sub3A_42 : f32 to vector<1x256xf32>
      %sub3A_44 = arith.subf %exp3A_41, %sub3A_43 : vector<1x256xf32>
      %select_n3A_45 = arith.select %gt3A_40, %get3A_37, %sub3A_44 : vector<1x256xi1>, vector<1x256xf32>
      %get3A_46 = arith.constant 0 : index
      %get3A_47 = arith.constant 0 : index
      %get3A_48 = vector.load %arg5[%get3A_46, %get3A_47] : memref<128x256xf32, #tpu.memory_space<vmem>>, vector<128x256xf32>
      %dot_general3A = arith.constant dense<0.000000e+00> : vector<1x128xf32>
      %dot_general3A_49 = tpu.matmul %select_n3A_45, %get3A_48, %dot_general3A {dimension_numbers = #tpu.dot_dimension_numbers<[1], [1], [0], [0], [0, 0, 1, 0], [], []>, transpose_lhs_hint = false} : vector<1x256xf32>, vector<128x256xf32>, vector<1x128xf32> -> vector<1x128xf32>
      %get3A_50 = arith.constant 0 : index
      %get3A_51 = arith.constant 0 : index
      %get3A_52 = vector.load %arg6[%get3A_50, %get3A_51] : memref<1x128xf32, #tpu.memory_space<vmem>>, vector<1x128xf32>
      %add3A_53 = arith.addf %dot_general3A_49, %get3A_52 : vector<1x128xf32>
      %swap3A = arith.constant 0 : index
      %swap3A_54 = arith.constant 0 : index
      %swap3A_55 = vector.load %arg7[%swap3A, %swap3A_54] : memref<1x128xf32, #tpu.memory_space<vmem>>, vector<1x128xf32>
      tpu.vector_store %arg7[%swap3A, %swap3A_54], %add3A_53 {strides = array<i32>} : memref<1x128xf32, #tpu.memory_space<vmem>>, vector<1x128xf32>,
    } else {
    }
    return
  }
  func.func @transform_0(%arg0: i32) -> (i32, i32) {
    %c0_i32 = arith.constant 0 : i32
    %c0_i32_0 = arith.constant 0 : i32
    return %arg0, %c0_i32 : i32, i32
  }
  func.func @transform_1(%arg0: i32) -> (i32, i32) {
    %c0_i32 = arith.constant 0 : i32
    %c0_i32_0 = arith.constant 0 : i32
    return %arg0, %c0_i32 : i32, i32
  }
  func.func @transform_2(%arg0: i32) -> (i32, i32) {
    %c0_i32 = arith.constant 0 : i32
    %c0_i32_0 = arith.constant 0 : i32
    return %arg0, %c0_i32 : i32, i32
  }
  func.func @transform_3(%arg0: i32) -> (i32, i32) {
    %c0_i32 = arith.constant 0 : i32
    %c0_i32_0 = arith.constant 0 : i32
    return %arg0, %c0_i32 : i32, i32
  }
  func.func @transform_4(%arg0: i32) -> (i32, i32) {
    %c0_i32 = arith.constant 0 : i32
    %c0_i32_0 = arith.constant 0 : i32
    %c0_i32_1 = arith.constant 0 : i32
    return %c0_i32, %c0_i32_0 : i32, i32
  }
  func.func @transform_5(%arg0: i32) -> (i32, i32) {
    %c0_i32 = arith.constant 0 : i32
    %c0_i32_0 = arith.constant 0 : i32
    %c0_i32_1 = arith.constant 0 : i32
    return %c0_i32, %c0_i32_0 : i32, i32
  }
  func.func @transform_6(%arg0: i32) -> (i32, i32) {
    %c0_i32 = arith.constant 0 : i32
    %c0_i32_0 = arith.constant 0 : i32
    %c0_i32_1 = arith.constant 0 : i32
    return %c0_i32, %c0_i32_0 : i32, i32
  }
}

</mosaic_0001>

<sc_bundles>
// kernel: kernel.6.cloned.1.call-start
scs
__scs_entry_jumppad:
0x0: {  	(pc) =	sbr.rel $0x88, $3  }
0x1: {  	(tag) =	ssettag $0x0;
	lr =	simm.s32 $0x1  }
0x2: {  	[smem:$0x3F97] =	sst lr;
	_ =	strace $0xD0000000  }
0x3: {  	_ = 	snop  }
0x4: {  	_ = 	snop  }
0x5: {  	_ = 	snop  }
0x6: {  	_ = 	snop  }
0x7: {  	_ = 	snop  }
__scs_overlays_trampoline_lowered:
0x8: {  	[smem:$0x3FA6] =	sst s0  }
0x9: {  	[smem:$0x3FA7] =	sst s1  }
0xa: {  	[smem:$0x3FA8] =	sst s2  }
0xb: {  	[smem:$0x3FA9] =	sst s3  }
0xc: {  	[smem:$0x3FAA] =	sst s4  }
0xd: {  	[smem:$0x3FAB] =	sst s5  }
0xe: {  	[smem:$0x3FAC] =	sst s6  }
0xf: {  	[smem:$0x3FAD] =	sst s7  }
0x10: {  	[smem:$0x3FAE] =	sst s8  }
0x11: {  	[smem:$0x3FAF] =	sst s9;
	s0 =	simm.s32 @!p0 $0x0  }
0x12: {  	s1 =	sld [smem:$0x3F95];
	s0 =	simm.s32 @p0 $0x1  }
0x13: {  	[smem:$0x3FB0] =	sst s0;
	s0 =	simm.s32 @!p1 $0x0  }
0x14: {  	s2 =	sld [smem:$0x3F94];
	s0 =	simm.s32 @p1 $0x1  }
0x15: {  	[smem:$0x3FB1] =	sst s0;
	s0 =	simm.s32 @!p2 $0x0  }
0x16: {  	s3 =	sld [smem:$0x3FDB];
	s0 =	simm.s32 @p2 $0x1  }
0x17: {  	s4 =	simm.s32 $0x1BF5;
	[smem:$0x3FB3] =	sst s0  }
0x18: {  	s0 =	sld [smem:$0x3F96];
	_ =	swait.ge [sflag:s4], $0x0  }
0x19: {  	s7 =	sld [smem:$0x3F97]  }
0x1a: {  	s8 =	sadd.s32 $0xFFFFE003, lr  }
0x1b: {  	s9 =	sadd.s32 $0xFFFFFEF7, lr;
	s5 =	simm.s32 $0xFFFFFFFF;
	p2 =	slt.u32 s8, $0xFFFFF086  }
0x1c: {  	p1 =	slt.u32 s9, $0xF7A;
	s5 =	simm.s32 @!p2 $0x0  }
0x1d: {  	s5 =	simm.s32 @p1 $0x1;
	p0 =	seq.s32 s7, s2  }
0x1e: {  	s7 =	smul.u32 @!p0 $0xF7A, s2;
	p2 =	seq.s32 @!p0 s5, $0x0  }
0x1f: {  	s9 =	smul.u32 $0xF7A, s1;
	s8 =	simm.s32 @!p0 $0x1BF5;
	p2 =	por !p2, p0  }
0x20: {  	[sflag:s8] =	ssyncset.s32 @!p0 $0xFFFFF086;
	s6 =	sadd.s32 @!p0 s3, s7;
	s7 =	simm.s32 @!p0 $0x108  }
0x21: {  	s3 =	sadd.s32 s3, s9;
	s6 =	sadd.s32 @!p0 $0x88, s6;
	s7 =	simm.s32 @p2 $0x1082  }
0x22: {  	[simem:s7], [sflag:s8] =	dma.local @!p0 [hbm:s6], $0xF7A  }
0x23: {  	s9 =	sor.u32 $0xD0000000, s2;
	s6 =	simm.s32 $0x108;
	_ =	swait.ge @!p0 [sflag:s8], $0x0  }
0x24: {  	s3 =	sadd.s32 $0x88, s3;
	s6 =	simm.s32 @!p1 $0x1082;
	[sflag:s4] =	ssyncset.s32 $0xFFFFF086  }
0x25: {  	[simem:s6], [sflag:s4] =	dma.local [hbm:s3], $0xF7A  }
0x26: {  	[smem:$0x3F97] =	sst s1;
	(tag) =	ssettag s2;
	_ =	strace s9  }
0x27: {  	s1 =	sld [smem:$0x3FA7]  }
0x28: {  	s2 =	sld [smem:$0x3FA8]  }
0x29: {  	s4 =	sld [smem:$0x3FAA]  }
0x2a: {  	p0 =	seq.s32 s5, $0x0;
	s5 =	sld [smem:$0x3FAB]  }
0x2b: {  	s6 =	sld [smem:$0x3FAC]  }
0x2c: {  	s7 =	sld [smem:$0x3FAD]  }
0x2d: {  	s3 =	simm.s32 $0x108;
	s8 =	sld [smem:$0x3FAE]  }
0x2e: {  	s3 =	simm.s32 @!p0 $0x1082;
	s9 =	sld [smem:$0x3FAF]  }
0x2f: {  	lr =	sadd.s32 s0, s3;
	s0 =	sld [smem:$0x3FA6]  }
0x30: {  	s3 =	sld [smem:$0x3FA9]  }
0x31: {  	[smem:$0x3FB2] =	sst s10  }
0x32: {  	s10 =	sld [smem:$0x3FB0];
	_ =	sdelay $0x3  }
0x33: {  	p0 =	seq.s32 s10, $0x1;
	s10 =	sld [smem:$0x3FB2];
	_ =	sdelay $0x3  }
0x34: {  	[smem:$0x3FB2] =	sst s10  }
0x35: {  	s10 =	sld [smem:$0x3FB1];
	_ =	sdelay $0x3  }
0x36: {  	p1 =	seq.s32 s10, $0x1;
	s10 =	sld [smem:$0x3FB2];
	_ =	sdelay $0x3  }
0x37: {  	[smem:$0x3FB2] =	sst s10  }
0x38: {  	s10 =	sld [smem:$0x3FB3]  }
0x39: {  	_ = 	snop;
	(pc) =	sbr.ind lr, $3  }
0x3a: {  	_ = 	snop  }
0x3b: {  	_ = 	snop  }
0x3c: {  	p2 =	seq.s32 s10, $0x1;
	s10 =	sld [smem:$0x3FB2]  }
0x3d: {  	_ =	shalt  }
0x3e: {  	_ =	shalt  }
0x3f: {  	_ =	shalt  }
0x40: {  	_ =	shalt  }
0x41: {  	_ =	shalt  }
0x42: {  	_ =	shalt  }
0x43: {  	_ =	shalt  }
0x44: {  	_ =	shalt  }
0x45: {  	_ =	shalt  }
0x46: {  	_ =	shalt  }
0x47: {  	_ =	shalt  }
0x48: {  	_ =	shalt  }
0x49: {  	_ =	shalt  }
0x4a: {  	_ =	shalt  }
0x4b: {  	_ =	shalt  }
0x4c: {  	_ =	shalt  }
0x4d: {  	_ =	shalt  }
0x4e: {  	_ =	shalt  }
0x4f: {  	_ =	shalt  }
0x50: {  	_ =	shalt  }
0x51: {  	_ =	shalt  }
0x52: {  	_ =	shalt  }
0x53: {  	_ =	shalt  }
0x54: {  	_ =	shalt  }
0x55: {  	_ =	shalt  }
0x56: {  	_ =	shalt  }
0x57: {  	_ =	shalt  }
0x58: {  	_ =	shalt  }
0x59: {  	_ =	shalt  }
0x5a: {  	_ =	shalt  }
0x5b: {  	_ =	shalt  }
0x5c: {  	_ =	shalt  }
0x5d: {  	_ =	shalt  }
0x5e: {  	_ =	shalt  }
0x5f: {  	_ =	shalt  }
0x60: {  	_ =	shalt  }
0x61: {  	_ =	shalt  }
0x62: {  	_ =	shalt  }
0x63: {  	_ =	shalt  }
0x64: {  	_ =	shalt  }
0x65: {  	_ =	shalt  }
0x66: {  	_ =	shalt  }
0x67: {  	_ =	shalt  }
0x68: {  	_ =	shalt  }
0x69: {  	_ =	shalt  }
0x6a: {  	_ =	shalt  }
0x6b: {  	_ =	shalt  }
0x6c: {  	_ =	shalt  }
0x6d: {  	_ =	shalt  }
0x6e: {  	_ =	shalt  }
0x6f: {  	_ =	shalt  }
0x70: {  	_ =	shalt  }
0x71: {  	_ =	shalt  }
0x72: {  	_ =	shalt  }
0x73: {  	_ =	shalt  }
0x74: {  	_ =	shalt  }
0x75: {  	_ =	shalt  }
0x76: {  	_ =	shalt  }
0x77: {  	_ =	shalt  }
0x78: {  	_ =	shalt  }
0x79: {  	_ =	shalt  }
0x7a: {  	_ =	shalt  }
0x7b: {  	_ =	shalt  }
0x7c: {  	_ =	shalt  }
0x7d: {  	_ =	shalt  }
0x7e: {  	_ =	shalt  }
0x7f: {  	_ =	shalt  }
0x80: {  	_ =	shalt  }
0x81: {  	_ =	shalt  }
0x82: {  	_ =	shalt  }
0x83: {  	_ =	shalt  }
0x84: {  	_ =	shalt  }
0x85: {  	_ =	shalt  }
0x86: {  	_ =	shalt  }
0x87: {  	_ =	shalt  }
.Lfunc_end0:
.L_simem_size_0:
called_computation_lowered:
.L_overlay_start_0:
0x88: {  	s2 =	sld [smem:$0x3FD9]  }
0x89: {  	s3 =	sld [smem:$0x3FFE];
	_ =	sdelay $0x1  }
0x8a: {  	s1 =	srdreg.scid  }
0x8b: {  	s0 =	sand.u32 $0x1, s1  }
0x8c: {  	s17 =	sshll.u32 s0, $0xA;
	s2 =	sadd.s32 s3, s2  }
0x8d: {  	s2 =	sadd.s32 s2, s17  }
0x8e: {  	[smem:$0x3FBE] =	sst s2  }
0x8f: {  	_ = 	snop  }
0x90: {  	s2 =	sld [smem:$0x3FC9];
	(tm) =	ssettm $0x1  }
0x91: {  	s18 =	sld [smem:$0x3FFB];
	_ =	sdelay $0x3  }
0x92: {  	_ =	strace s18  }
0x93: {  	s3 =	sld [smem:$0x3FFC];
	_ =	sdelay $0x3  }
0x94: {  	_ =	strace s3  }
0x95: {  	s3 =	sld [smem:$0x3FFD];
	_ =	sdelay $0x3  }
0x96: {  	_ =	strace s3  }
0x97: {  	_ =	strace $0x8FFFFFFF  }
0x98: {  	s19 =	sld [smem:$0x3FDB];
	_ =	sdelay $0x1  }
0x99: {  	s4 =	simm.s32 $_scs_section_size  }
0x9a: {  	s5 =	simm.s32 $_size__tile_overlayer_lowered;
	s6 =	simm.s32 $_tile_overlayer_lowered  }
0x9b: {  	s22 =	simm.s32 $0x1BFF;
	s21 =	sshll.u32 s6, $0x1;
	s3 =	sadd.s32 s4, s19  }
0x9c: {  	s7 =	simm.s32 $0x0;
	s20 =	sshll.u32 s5, $0x1;
	s5 =	sadd.s32 s21, s3  }
0x9d: {  	[timem:s7], [sflag:s22] =	dma.local [hbm:s5], s20  }
0x9e: {  	_ =	swait.ge [sflag:s22], s20  }
0x9f: {  	s4 =	ssub.s32 $0x0, s20;
	[sflag:s22] =	ssyncset.done $0x0  }
0xa0: {  	[sflag:s22] =	ssyncadd.s32 s4;
	_ =	sdelay $0x1  }
0xa1: {  	s23 =	simm.s32 $0x1B8B  }
0xa2: {  	_ =	swait.ge [sflag:s23], $0x1  }
0xa3: {  	[sflag:s23] =	ssyncset.done $0x0  }
0xa4: {  	s25 =	simm.s32 $0x1B8E;
	s24 =	sld [smem:$0x3FFE];
	[sflag:s23] =	ssyncadd.s32 $0xFFFFFFFF  }
0xa5: {  	s26 =	simm.s32 $execute0_lowered;
	[smem:$0x3FD2] =	sst s25  }
0xa6: {  	s5 =	sshll.u32 s26, $0x1;
	_ =	strace $0x80000046;
	[dreg:$0x1] =	wrdreg $0xFFFFFFFF  }
0xa7: {  	s28 =	simm.s32 $_size_execute0_lowered;
	s3 =	sadd.s32 s3, s5;
	[dreg:$0x0] =	wrdreg $0x0  }
0xa8: {  	s5 =	sshll.u32 s28, $0x1;
	[dreg:$0x2] =	wrdreg s3  }
0xa9: {  	[dreg:$0x3] =	wrdreg s5  }
0xaa: {  	[dreg:$0x4] =	wrdreg $0xC0  }
0xab: {  	_ =	task [dreg:s7], $0x5FFFF  }
0xac: {  	[dreg:$0x1] =	wrdreg $0xFFFFFFFF  }
0xad: {  	[dreg:$0x0] =	wrdreg $0x60  }
0xae: {  	[dreg:$0x2] =	wrdreg s2  }
0xaf: {  	[dreg:$0x3] =	wrdreg s24  }
0xb0: {  	[dreg:$0x4] =	wrdreg $0x29000  }
0xb1: {  	[dreg:$0x5] =	wrdreg $0x169800  }
0xb2: {  	[dreg:$0x6] =	wrdreg $0x9  }
0xb3: {  	_ =	task.clear_ibuf [dreg:s7], $0x7FFFF;
	_ =	strace $0x90000046  }
0xb4: {  	s29 =	simm.s32 $0x9;
	_ =	strace $0x80000048  }
0xb5: {  	_ =	swait.ge [sflag:s29], $0x1  }
0xb6: {  	[sflag:s29] =	ssyncadd.s32 $0xFFFFFFFF  }
0xb7: {  	_ =	strace $0x90000048  }
0xb8: {  	_ =	sfence  }
0xb9: {  	s30 =	sld [smem:$0x0];
	_ =	sdelay $0x2  }
0xba: {  	s31 =	sshll.u32 s1, $0xD;
	s1 =	sshrl.u32 s1, $0x2  }
0xbb: {  	s3 =	sand.u32 $0x4000, s31;
	s1 =	sadd.s32 s1, s30  }
0xbc: {  	s0 =	sor.u32 s3, s0;
	s1 =	sshll.u32 s1, $0x11  }
0xbd: {  	s0 =	sor.u32 s1, s0  }
0xbe: {  	s0 =	sadd.s32 $0x8F2B, s0  }
0xbf: {  	[sflag:s0] =	ssyncadd.remote.s32 $0x1  }
0xc0: {  	_ =	sfence.sel $0xFFFF  }
0xc1: {  	[dreg:$0x0] =	wrdreg $0xFFFFFFFF;
	(pc) =	sbr.abs _section_cstart, $3  }
0xc2: {  	[dreg:$0x1] =	wrdreg $0xFFFFFFFF  }
0xc3: {  	_ =	task.clear_ibuf [dreg:s7], $0x2FFFF;
	_ =	strace $0x9FFFFFFF  }
0xc4: {  	(tm) =	ssettm $0x7FFFFFFF  }
0xc5: {  	_ =	shalt  }
tec
execute0_lowered:
.L_overlay_start_1:
0x0: {  	(tag) =	ssettag $0x1  }
0x1: {  	s1 =	rddreg [dreg:$0x0]  }
0x2: {  	s6 =	rddreg [dreg:$0x1]  }
0x3: {  	s2 =	rddreg [dreg:$0x2]  }
0x4: {  	s3 =	rddreg [dreg:$0x3]  }
0x5: {  	s4 =	srdreg.scid;
	s0 =	rddreg [dreg:$0x4]  }
0x6: {  	s5 =	simm.s32 $0x0;
	s18 =	simm.s32 $0x50;
	s7 =	sand.u32 $0x1, s4  }
0x7: {  	s19 =	simm.s32 $0x100;
	s4 =	stileid.u32;
	s8 =	smul.u32 $0x27100, s7  }
0x8: {  	s20 =	simm.s32 $0x1;
	s21 =	simm.s32 $0x16900;
	s9 =	smul.u32 $0x2710, s4  }
0x9: {  	[smem:$0x7FF] =	sst s5;
	s10 =	sshll.u32 s7, $0x4;
	s22 =	smul.u32 $0x2800, s4  }
0xa: {  	_ =	strace $0x80000047;
	s12 =	sshll.u32 s4, $0x7;
	s25 =	smul.u32 $0x50000, s4  }
0xb: {  	s7 =	ssub.s32 $0x2, s7;
	s14 =	smul.u32 $0xA00, s4;
	s30 =	sshll.u32 s4, $0x6  }
0xc: {  	s10 =	sor.u32 s4, s10;
	s24 =	sand.u32 $0x380, s12;
	s29 =	sshrl.u32 s7, $0x1  }
0xd: {  	s8 =	sadd.s32 s9, s8;
	s11 =	sshrl.u32 s10, $0x3;
	s23 =	smul.u32 $0x2800, s10  }
0xe: {  	s9 =	sadd.s32 s22, s6;
	s16 =	ssub.s32 s7, s29;
	s31 =	sshrl.u32 s14, $0x2  }
0xf: {  	s7 =	sor.u32 $0x1C02, s30;
	s8 =	sshrl.u32 s8, $0x3;
	s11 =	smul.u32 $0x1400, s11  }
0x10: {  	s13 =	sadd.s32 s8, s6;
	s26 =	sadd.s32 s23, s6;
	s8 =	sadd.s32 s31, s3  }
0x11: {  	s23 =	simm.s32 $0x10;
	s10 =	sor.u32 s24, s11;
	s11 =	sshrl.u32 s25, $0x2  }
0x12: {  	s12 =	sadd.s32 $0x2C00, s13;
	s13 =	sadd.s32 $0xCA00, s13;
	s22 =	sshrl.u32 s8, $0x3  }
0x13: {  	s24 =	simm.s32 $0x0;
	s28 =	sshrl.u32 s10, $0x3;
	s17 =	sadd.s32 s11, s2  }
0x14: {  	s11 =	smax.u32 s16, $0x1;
	s16 =	simm.s32 $0x16C00;
	s15 =	sadd.s32 s28, s6  }
0x15: {  	s6 =	sadd.s32 $0x16800, s9;
	s9 =	sadd.s32 $0x3E800, s26;
	s14 =	sshrl.u32 s17, $0x3  }
0x16: {  	v0 =	vimm.f32 $1.000000000e+00;
	v1 =	vimm.f32 $0.0e+00;
	s17 =	simm.s32 $0x80;
	s10 =	sadd.s32 $0x8E800, s15;
	s15 =	simm.s32 $0x2  }
.LBB2_1:
0x17: {  	[spmem:s14], [sflag:s7] =	dma.local [hbm:s6], $0x2800  }
0x18: {  	_ =	swait.ge [sflag:s15], $0x2800  }
0x19: {  	[sflag:s15] =	ssyncset.done $0x0  }
0x1a: {  	[sflag:s15] =	ssyncadd.s32 $0xFFFFD800  }
0x1b: {  	[tilespmem:$0x16900] =	vst v0  }
0x1c: {  	[tilespmem:$0x16910] =	vst v0  }
0x1d: {  	[tilespmem:$0x16920] =	vst v0  }
0x1e: {  	[tilespmem:$0x16930] =	vst v0  }
0x1f: {  	[tilespmem:$0x16940] =	vst v0  }
0x20: {  	[tilespmem:$0x16C00] =	vst v1  }
0x21: {  	[tilespmem:$0x16C10] =	vst v1  }
0x22: {  	[tilespmem:$0x16C20] =	vst v1  }
0x23: {  	[tilespmem:$0x16C30] =	vst v1  }
0x24: {  	[tilespmem:$0x16C40] =	vst v1  }
0x25: {  	[tilespmem:$0x16C50] =	vst v1  }
0x26: {  	[tilespmem:$0x16C60] =	vst v1  }
0x27: {  	[tilespmem:$0x16C70] =	vst v1  }
0x28: {  	[tilespmem:$0x16C80] =	vst v1  }
0x29: {  	[tilespmem:$0x16C90] =	vst v1  }
0x2a: {  	[tilespmem:$0x16CA0] =	vst v1  }
0x2b: {  	[tilespmem:$0x16CB0] =	vst v1  }
0x2c: {  	[tilespmem:$0x16CC0] =	vst v1  }
0x2d: {  	[tilespmem:$0x16CD0] =	vst v1  }
0x2e: {  	[tilespmem:$0x16CE0] =	vst v1  }
0x2f: {  	[tilespmem:$0x16CF0] =	vst v1  }
0x30: {  	[tilespmem:$0x16D00] =	vst v1  }
0x31: {  	[tilespmem:$0x16D10] =	vst v1  }
0x32: {  	[tilespmem:$0x16D20] =	vst v1  }
0x33: {  	[tilespmem:$0x16D30] =	vst v1  }
0x34: {  	[tilespmem:$0x16D40] =	vst v1  }
0x35: {  	[tilespmem:$0x16D50] =	vst v1  }
0x36: {  	[tilespmem:$0x16D60] =	vst v1  }
0x37: {  	[tilespmem:$0x16D70] =	vst v1  }
0x38: {  	[tilespmem:$0x16D80] =	vst v1  }
0x39: {  	[tilespmem:$0x16D90] =	vst v1  }
0x3a: {  	[tilespmem:$0x16DA0] =	vst v1  }
0x3b: {  	[tilespmem:$0x16DB0] =	vst v1  }
0x3c: {  	[tilespmem:$0x16DC0] =	vst v1  }
0x3d: {  	[tilespmem:$0x16DD0] =	vst v1  }
0x3e: {  	[tilespmem:$0x16DE0] =	vst v1  }
0x3f: {  	[tilespmem:$0x16DF0] =	vst v1  }
0x40: {  	[tilespmem:$0x16E00] =	vst v1  }
0x41: {  	[tilespmem:$0x16E10] =	vst v1  }
0x42: {  	[tilespmem:$0x16E20] =	vst v1  }
0x43: {  	[tilespmem:$0x16E30] =	vst v1  }
0x44: {  	[tilespmem:$0x16E40] =	vst v1  }
0x45: {  	[tilespmem:$0x16E50] =	vst v1  }
0x46: {  	[tilespmem:$0x16E60] =	vst v1  }
0x47: {  	[tilespmem:$0x16E70] =	vst v1  }
0x48: {  	[spmem:s8] =	stream.linear.scatter [tilespmem:s16], [sflag:$0x2], $0x280, $0x38;
	[tilespmem:$0x16E80] =	vst v63  }
0x49: {  	_ =	swait.ge [sflag:s15], $0x280  }
0x4a: {  	[sflag:s15] =	ssyncset.done $0x0  }
0x4b: {  	[sflag:s15] =	ssyncadd.s32 $0xFFFFFD80  }
0x4c: {  	s25 =	sadd.s32 $0x0, s13;
	[bflag:$0x0] =	sbarrier.arrive $0xFFFF  }
0x4d: {  	[tilespmem:s5], [sflag:$0x2] =	stream.linear.gather [hbm4b:s25+s5], $0x50, $0x38;
	[tilespmem:$0x16E80] =	vst v63  }
0x4e: {  	_ =	swait.ge [sflag:s15], $0x50  }
0x4f: {  	[sflag:s15] =	ssyncset.done $0x0  }
0x50: {  	s31 =	sadd.s32 $0x0, s12;
	[sflag:s15] =	ssyncadd.s32 $0xFFFFFFB0  }
0x51: {  	[tilespmem:s17], [sflag:$0x2] =	stream.linear.gather [hbm4b:s31+s5], $0x50, $0x38;
	[tilespmem:$0x16E80] =	vst v63  }
0x52: {  	_ =	swait.ge [sflag:s15], $0x50  }
0x53: {  	[sflag:s15] =	ssyncset.done $0x0  }
0x54: {  	[sflag:s15] =	ssyncadd.s32 $0xFFFFFFB0  }
0x55: {  	[tilespmem:s19], [sflag:$0x1] =	stream.indirect.gather [hbm4b:s1+s18], $0x80, s5, s18, $0xb8;
	[tilespmem:$0x16E80] =	vst v63  }
0x56: {  	_ =	swait.ge [sflag:s20], $0x2800  }
0x57: {  	[sflag:s20] =	ssyncset.done $0x0  }
0x58: {  	[sflag:s20] =	ssyncadd.s32 $0xFFFFD800  }
0x59: {  	[spmem:s2] =	stream.indirect.scatter.add.f32 [tilespmem:s19], [sflag:$0x2], $0x80, s17, s18, $0xb8;
	[tilespmem:$0x16E80] =	vst v63  }
0x5a: {  	_ =	swait.ge [sflag:s15], $0x2800  }
0x5b: {  	[sflag:s15] =	ssyncset.done $0x0  }
0x5c: {  	[sflag:s15] =	ssyncadd.s32 $0xFFFFD800  }
0x5d: {  	[spmem:s3] =	stream.indirect.scatter.add.f32 [tilespmem:s21], [sflag:$0x2], $0x1, s17, s18, $0xb8;
	[tilespmem:$0x16E80] =	vst v63  }
0x5e: {  	_ =	swait.ge [sflag:s15], $0x50  }
0x5f: {  	s26 =	simm.s32 $0x14;
	s25 =	simm.s32 $0xA;
	[sflag:s15] =	ssyncset.done $0x0  }
.LBB2_2:
0x60: {  	s28 =	sadd.s32 s25, s13  }
0x61: {  	[sflag:s15] =	ssyncadd.s32 $0xFFFFFFB0;
	s29 =	smov.u32 s26;
	s30 =	sadd.s32 $0xA, s26  }
0x62: {  	[tilespmem:s5], [sflag:$0x2] =	stream.linear.gather [hbm4b:s28+s5], $0x50, $0x38;
	[tilespmem:$0x16E80] =	vst v63  }
0x63: {  	p0 =	sne.s32 s26, $0x4D8;
	_ =	swait.ge [sflag:s15], $0x50  }
0x64: {  	[sflag:s15] =	ssyncset.done $0x0  }
0x65: {  	s26 =	sadd.s32 s25, s12;
	s25 =	smov.u32 s29;
	[sflag:s15] =	ssyncadd.s32 $0xFFFFFFB0  }
0x66: {  	[tilespmem:s17], [sflag:$0x2] =	stream.linear.gather [hbm4b:s26+s5], $0x50, $0x38;
	[tilespmem:$0x16E80] =	vst v63  }
0x67: {  	_ =	swait.ge [sflag:s15], $0x50  }
0x68: {  	[sflag:s15] =	ssyncset.done $0x0  }
0x69: {  	[sflag:s15] =	ssyncadd.s32 $0xFFFFFFB0  }
0x6a: {  	[tilespmem:s19], [sflag:$0x1] =	stream.indirect.gather [hbm4b:s1+s18], $0x80, s5, s18, $0xb8;
	[tilespmem:$0x16E80] =	vst v63  }
0x6b: {  	_ =	swait.ge [sflag:s20], $0x2800  }
0x6c: {  	[sflag:s20] =	ssyncset.done $0x0  }
0x6d: {  	[sflag:s20] =	ssyncadd.s32 $0xFFFFD800  }
0x6e: {  	[spmem:s2] =	stream.indirect.scatter.add.f32 [tilespmem:s19], [sflag:$0x2], $0x80, s17, s18, $0xb8;
	[tilespmem:$0x16E80] =	vst v63  }
0x6f: {  	_ =	swait.ge [sflag:s15], $0x2800  }
.Ltmp0:
0x70: {  	[sflag:s15] =	ssyncset.done $0x0;
	(pc) =	sbr.rel @p0 .LBB2_2-.Ltmp0, $4  }
0x71: {  	[sflag:s15] =	ssyncadd.s32 $0xFFFFD800  }
0x72: {  	[spmem:s3] =	stream.indirect.scatter.add.f32 [tilespmem:s21], [sflag:$0x2], $0x1, s17, s18, $0xb8;
	[tilespmem:$0x16E80] =	vst v63  }
0x73: {  	_ =	swait.ge [sflag:s15], $0x50  }
0x74: {  	s26 =	smov.u32 s30;
	[sflag:s15] =	ssyncset.done $0x0  }
0x75: {  	s26 =	sadd.s32 s25, s13;
	[sflag:s15] =	ssyncadd.s32 $0xFFFFFFB0  }
0x76: {  	[tilespmem:s5], [sflag:$0x2] =	stream.linear.gather [hbm4b:s26+s5], $0x50, $0x38;
	[tilespmem:$0x16E80] =	vst v63  }
0x77: {  	_ =	swait.ge [sflag:s15], $0x50  }
0x78: {  	[sflag:s15] =	ssyncset.done $0x0  }
0x79: {  	s31 =	sadd.s32 s25, s12;
	[sflag:s15] =	ssyncadd.s32 $0xFFFFFFB0  }
0x7a: {  	[tilespmem:s17], [sflag:$0x2] =	stream.linear.gather [hbm4b:s31+s5], $0x50, $0x38;
	[tilespmem:$0x16E80] =	vst v63  }
0x7b: {  	_ =	swait.ge [sflag:s15], $0x50  }
0x7c: {  	[sflag:s15] =	ssyncset.done $0x0  }
0x7d: {  	[sflag:s15] =	ssyncadd.s32 $0xFFFFFFB0  }
0x7e: {  	[tilespmem:s19], [sflag:$0x1] =	stream.indirect.gather [hbm4b:s1+s18], $0x80, s5, s18, $0xb8;
	[tilespmem:$0x16E80] =	vst v63  }
0x7f: {  	_ =	swait.ge [sflag:s20], $0x2800  }
0x80: {  	[sflag:s20] =	ssyncset.done $0x0  }
0x81: {  	[sflag:s20] =	ssyncadd.s32 $0xFFFFD800  }
0x82: {  	[spmem:s2] =	stream.indirect.scatter.add.f32 [tilespmem:s19], [sflag:$0x2], $0x80, s17, s18, $0xb8;
	[tilespmem:$0x16E80] =	vst v63  }
0x83: {  	_ =	swait.ge [sflag:s15], $0x2800  }
0x84: {  	[sflag:s15] =	ssyncset.done $0x0  }
0x85: {  	[sflag:s15] =	ssyncadd.s32 $0xFFFFD800  }
0x86: {  	[spmem:s3] =	stream.indirect.scatter.add.f32 [tilespmem:s21], [sflag:$0x2], $0x1, s17, s18, $0xb8;
	[tilespmem:$0x16E80] =	vst v63  }
0x87: {  	_ =	swait.ge [sflag:s15], $0x50  }
0x88: {  	[sflag:s15] =	ssyncset.done $0x0  }
0x89: {  	[sflag:s15] =	ssyncadd.s32 $0xFFFFFFB0  }
0x8a: {  	[bflag:$0x0] =	sbarrier.arrive $0xFFFF  }
0x8b: {  	[hbm:s9], [sflag:s7] =	dma.local [spmem:s14], $0x2800  }
0x8c: {  	s24 =	sadd.s32 $0x1, s24;
	_ =	swait.ge [sflag:s15], $0x2800  }
0x8d: {  	p0 =	sne.s32 s24, s11;
	[sflag:s15] =	ssyncset.done $0x0  }
.Ltmp1:
0x8e: {  	[sflag:s15] =	ssyncadd.s32 $0xFFFFD800;
	(pc) =	sbr.rel @p0 .LBB2_1-.Ltmp1, $4  }
0x8f: {  	[hbm:s10@s17], [sflag:s7] =	dma.strided [spmem:s22@s23], $0x50, s20, $0x10   }
0x90: {  	_ =	swait.ge [sflag:s15], $0x50  }
0x91: {  	[sflag:s15] =	ssyncset.done $0x0  }
0x92: {  	[sflag:s15] =	ssyncadd.s32 $0xFFFFFFB0  }
0x93: {  	_ =	sfence.sel $0x180000  }
0x94: {  	[bflag:$0x0] =	sbarrier.arrive $0xFFFF  }
0x95: {  	p0 =	sne.s32 s4, $0x0;
	_ =	strace $0x90000047  }
0x96: {  	s0 =	sadd.s32 @!p0 $0x100000, s0;
	[bflag:$0x2] =	sbarrier.arrive $0xFFFF  }
0x97: {  	[sflag:s0] =	ssyncadd.tile.s32 @!p0 $0x1;
	_ =	shalt  }
.Lfunc_end2:
_tile_overlayer_lowered:
.L_overlay_start_2:
0x98: {  	(tag) =	ssettag $0x2  }
0x99: {  	s0 =	rddreg [dreg:$0x0];
	s2 =	stileid.u32  }
0x9a: {  	s1 =	rddreg [dreg:$0x1];
	p0 =	sne.s32 s2, $0x0  }
0x9b: {  	s3 =	rddreg [dreg:$0x2];
	[bflag:$0x3] =	sbarrier.arrive $0xFFFF;
	s2 =	simm.s32 @!p0 $0x1C02  }
0x9c: {  	[timem:s3], [sflag:s2] =	dma.local @!p0 [hbm:s0], s1  }
0x9d: {  	s0 =	simm.s32 @!p0 $0x2  }
0x9e: {  	_ =	swait.ge @!p0 [sflag:s0], s1  }
0x9f: {  	s1 =	ssub.s32 @!p0 $0x0, s1;
	[sflag:s0] =	ssyncset.done @!p0 $0x0  }
0xa0: {  	[sflag:s0] =	ssyncadd.s32 @!p0 s1  }
0xa1: {  	[bflag:$0x3] =	sbarrier.arrive $0xFFFF  }
0xa2: {  	_ =	shalt  }

// kernel: kernel.9.cloned.1.call-start
scs
__scs_entry_jumppad:
0x0: {  	(pc) =	sbr.rel $0x88, $3  }
0x1: {  	(tag) =	ssettag $0x0;
	lr =	simm.s32 $0x1  }
0x2: {  	[smem:$0x3F97] =	sst lr;
	_ =	strace $0xD0000000  }
0x3: {  	_ = 	snop  }
0x4: {  	_ = 	snop  }
0x5: {  	_ = 	snop  }
0x6: {  	_ = 	snop  }
0x7: {  	_ = 	snop  }
__scs_overlays_trampoline_lowered:
0x8: {  	[smem:$0x3FA6] =	sst s0  }
0x9: {  	[smem:$0x3FA7] =	sst s1  }
0xa: {  	[smem:$0x3FA8] =	sst s2  }
0xb: {  	[smem:$0x3FA9] =	sst s3  }
0xc: {  	[smem:$0x3FAA] =	sst s4  }
0xd: {  	[smem:$0x3FAB] =	sst s5  }
0xe: {  	[smem:$0x3FAC] =	sst s6  }
0xf: {  	[smem:$0x3FAD] =	sst s7  }
0x10: {  	[smem:$0x3FAE] =	sst s8  }
0x11: {  	[smem:$0x3FAF] =	sst s9;
	s0 =	simm.s32 @!p0 $0x0  }
0x12: {  	s1 =	sld [smem:$0x3F95];
	s0 =	simm.s32 @p0 $0x1  }
0x13: {  	[smem:$0x3FB0] =	sst s0;
	s0 =	simm.s32 @!p1 $0x0  }
0x14: {  	s2 =	sld [smem:$0x3F94];
	s0 =	simm.s32 @p1 $0x1  }
0x15: {  	[smem:$0x3FB1] =	sst s0;
	s0 =	simm.s32 @!p2 $0x0  }
0x16: {  	s3 =	sld [smem:$0x3FDB];
	s0 =	simm.s32 @p2 $0x1  }
0x17: {  	s4 =	simm.s32 $0x1BF5;
	[smem:$0x3FB3] =	sst s0  }
0x18: {  	s0 =	sld [smem:$0x3F96];
	_ =	swait.ge [sflag:s4], $0x0  }
0x19: {  	s7 =	sld [smem:$0x3F97]  }
0x1a: {  	s8 =	sadd.s32 $0xFFFFE003, lr  }
0x1b: {  	s9 =	sadd.s32 $0xFFFFFEF7, lr;
	s5 =	simm.s32 $0xFFFFFFFF;
	p2 =	slt.u32 s8, $0xFFFFF086  }
0x1c: {  	p1 =	slt.u32 s9, $0xF7A;
	s5 =	simm.s32 @!p2 $0x0  }
0x1d: {  	s5 =	simm.s32 @p1 $0x1;
	p0 =	seq.s32 s7, s2  }
0x1e: {  	s7 =	smul.u32 @!p0 $0xF7A, s2;
	p2 =	seq.s32 @!p0 s5, $0x0  }
0x1f: {  	s9 =	smul.u32 $0xF7A, s1;
	s8 =	simm.s32 @!p0 $0x1BF5;
	p2 =	por !p2, p0  }
0x20: {  	[sflag:s8] =	ssyncset.s32 @!p0 $0xFFFFF086;
	s6 =	sadd.s32 @!p0 s3, s7;
	s7 =	simm.s32 @!p0 $0x108  }
0x21: {  	s3 =	sadd.s32 s3, s9;
	s6 =	sadd.s32 @!p0 $0x88, s6;
	s7 =	simm.s32 @p2 $0x1082  }
0x22: {  	[simem:s7], [sflag:s8] =	dma.local @!p0 [hbm:s6], $0xF7A  }
0x23: {  	s9 =	sor.u32 $0xD0000000, s2;
	s6 =	simm.s32 $0x108;
	_ =	swait.ge @!p0 [sflag:s8], $0x0  }
0x24: {  	s3 =	sadd.s32 $0x88, s3;
	s6 =	simm.s32 @!p1 $0x1082;
	[sflag:s4] =	ssyncset.s32 $0xFFFFF086  }
0x25: {  	[simem:s6], [sflag:s4] =	dma.local [hbm:s3], $0xF7A  }
0x26: {  	[smem:$0x3F97] =	sst s1;
	(tag) =	ssettag s2;
	_ =	strace s9  }
0x27: {  	s1 =	sld [smem:$0x3FA7]  }
0x28: {  	s2 =	sld [smem:$0x3FA8]  }
0x29: {  	s4 =	sld [smem:$0x3FAA]  }
0x2a: {  	p0 =	seq.s32 s5, $0x0;
	s5 =	sld [smem:$0x3FAB]  }
0x2b: {  	s6 =	sld [smem:$0x3FAC]  }
0x2c: {  	s7 =	sld [smem:$0x3FAD]  }
0x2d: {  	s3 =	simm.s32 $0x108;
	s8 =	sld [smem:$0x3FAE]  }
0x2e: {  	s3 =	simm.s32 @!p0 $0x1082;
	s9 =	sld [smem:$0x3FAF]  }
0x2f: {  	lr =	sadd.s32 s0, s3;
	s0 =	sld [smem:$0x3FA6]  }
0x30: {  	s3 =	sld [smem:$0x3FA9]  }
0x31: {  	[smem:$0x3FB2] =	sst s10  }
0x32: {  	s10 =	sld [smem:$0x3FB0];
	_ =	sdelay $0x3  }
0x33: {  	p0 =	seq.s32 s10, $0x1;
	s10 =	sld [smem:$0x3FB2];
	_ =	sdelay $0x3  }
0x34: {  	[smem:$0x3FB2] =	sst s10  }
0x35: {  	s10 =	sld [smem:$0x3FB1];
	_ =	sdelay $0x3  }
0x36: {  	p1 =	seq.s32 s10, $0x1;
	s10 =	sld [smem:$0x3FB2];
	_ =	sdelay $0x3  }
0x37: {  	[smem:$0x3FB2] =	sst s10  }
0x38: {  	s10 =	sld [smem:$0x3FB3]  }
0x39: {  	_ = 	snop;
	(pc) =	sbr.ind lr, $3  }
0x3a: {  	_ = 	snop  }
0x3b: {  	_ = 	snop  }
0x3c: {  	p2 =	seq.s32 s10, $0x1;
	s10 =	sld [smem:$0x3FB2]  }
0x3d: {  	_ =	shalt  }
0x3e: {  	_ =	shalt  }
0x3f: {  	_ =	shalt  }
0x40: {  	_ =	shalt  }
0x41: {  	_ =	shalt  }
0x42: {  	_ =	shalt  }
0x43: {  	_ =	shalt  }
0x44: {  	_ =	shalt  }
0x45: {  	_ =	shalt  }
0x46: {  	_ =	shalt  }
0x47: {  	_ =	shalt  }
0x48: {  	_ =	shalt  }
0x49: {  	_ =	shalt  }
0x4a: {  	_ =	shalt  }
0x4b: {  	_ =	shalt  }
0x4c: {  	_ =	shalt  }
0x4d: {  	_ =	shalt  }
0x4e: {  	_ =	shalt  }
0x4f: {  	_ =	shalt  }
0x50: {  	_ =	shalt  }
0x51: {  	_ =	shalt  }
0x52: {  	_ =	shalt  }
0x53: {  	_ =	shalt  }
0x54: {  	_ =	shalt  }
0x55: {  	_ =	shalt  }
0x56: {  	_ =	shalt  }
0x57: {  	_ =	shalt  }
0x58: {  	_ =	shalt  }
0x59: {  	_ =	shalt  }
0x5a: {  	_ =	shalt  }
0x5b: {  	_ =	shalt  }
0x5c: {  	_ =	shalt  }
0x5d: {  	_ =	shalt  }
0x5e: {  	_ =	shalt  }
0x5f: {  	_ =	shalt  }
0x60: {  	_ =	shalt  }
0x61: {  	_ =	shalt  }
0x62: {  	_ =	shalt  }
0x63: {  	_ =	shalt  }
0x64: {  	_ =	shalt  }
0x65: {  	_ =	shalt  }
0x66: {  	_ =	shalt  }
0x67: {  	_ =	shalt  }
0x68: {  	_ =	shalt  }
0x69: {  	_ =	shalt  }
0x6a: {  	_ =	shalt  }
0x6b: {  	_ =	shalt  }
0x6c: {  	_ =	shalt  }
0x6d: {  	_ =	shalt  }
0x6e: {  	_ =	shalt  }
0x6f: {  	_ =	shalt  }
0x70: {  	_ =	shalt  }
0x71: {  	_ =	shalt  }
0x72: {  	_ =	shalt  }
0x73: {  	_ =	shalt  }
0x74: {  	_ =	shalt  }
0x75: {  	_ =	shalt  }
0x76: {  	_ =	shalt  }
0x77: {  	_ =	shalt  }
0x78: {  	_ =	shalt  }
0x79: {  	_ =	shalt  }
0x7a: {  	_ =	shalt  }
0x7b: {  	_ =	shalt  }
0x7c: {  	_ =	shalt  }
0x7d: {  	_ =	shalt  }
0x7e: {  	_ =	shalt  }
0x7f: {  	_ =	shalt  }
0x80: {  	_ =	shalt  }
0x81: {  	_ =	shalt  }
0x82: {  	_ =	shalt  }
0x83: {  	_ =	shalt  }
0x84: {  	_ =	shalt  }
0x85: {  	_ =	shalt  }
0x86: {  	_ =	shalt  }
0x87: {  	_ =	shalt  }
.Lfunc_end0:
.L_simem_size_0:
called_computation.1_lowered:
.L_overlay_start_0:
0x88: {  	s2 =	sld [smem:$0x3FD9]  }
0x89: {  	s3 =	sld [smem:$0x3FFE];
	_ =	sdelay $0x1  }
0x8a: {  	s1 =	srdreg.scid  }
0x8b: {  	s0 =	sand.u32 $0x1, s1  }
0x8c: {  	s16 =	sshll.u32 s0, $0xA;
	s2 =	sadd.s32 s3, s2  }
0x8d: {  	s2 =	sadd.s32 s2, s16  }
0x8e: {  	[smem:$0x3FBE] =	sst s2  }
0x8f: {  	_ = 	snop  }
0x90: {  	(tm) =	ssettm $0x1  }
0x91: {  	s17 =	sld [smem:$0x3FFB];
	_ =	sdelay $0x3  }
0x92: {  	_ =	strace s17  }
0x93: {  	s2 =	sld [smem:$0x3FFC];
	_ =	sdelay $0x3  }
0x94: {  	_ =	strace s2  }
0x95: {  	s2 =	sld [smem:$0x3FFD];
	_ =	sdelay $0x3  }
0x96: {  	_ =	strace s2  }
0x97: {  	_ =	strace $0x8FFFFFFF  }
0x98: {  	s18 =	sld [smem:$0x3FDB];
	_ =	sdelay $0x1  }
0x99: {  	s19 =	simm.s32 $_scs_section_size  }
0x9a: {  	s4 =	simm.s32 $_size__tile_overlayer_lowered;
	s5 =	simm.s32 $_tile_overlayer_lowered  }
0x9b: {  	s22 =	simm.s32 $0x1BFF;
	s21 =	sshll.u32 s5, $0x1;
	s2 =	sadd.s32 s19, s18  }
0x9c: {  	s6 =	simm.s32 $0x0;
	s20 =	sshll.u32 s4, $0x1;
	s4 =	sadd.s32 s21, s2  }
0x9d: {  	[timem:s6], [sflag:s22] =	dma.local [hbm:s4], s20  }
0x9e: {  	_ =	swait.ge [sflag:s22], s20  }
0x9f: {  	s3 =	ssub.s32 $0x0, s20;
	[sflag:s22] =	ssyncset.done $0x0  }
0xa0: {  	[sflag:s22] =	ssyncadd.s32 s3;
	_ =	sdelay $0x1  }
0xa1: {  	s23 =	simm.s32 $0x1B8B  }
0xa2: {  	_ =	swait.ge [sflag:s23], $0x1  }
0xa3: {  	[sflag:s23] =	ssyncset.done $0x0  }
0xa4: {  	s25 =	simm.s32 $0x1B8E;
	s24 =	sld [smem:$0x3FFE];
	[sflag:s23] =	ssyncadd.s32 $0xFFFFFFFF  }
0xa5: {  	s26 =	simm.s32 $execute0_lowered;
	[smem:$0x3FD2] =	sst s25  }
0xa6: {  	s4 =	sshll.u32 s26, $0x1;
	_ =	strace $0x80000049;
	[dreg:$0x1] =	wrdreg $0xFFFFFFFF  }
0xa7: {  	s28 =	simm.s32 $_size_execute0_lowered;
	s2 =	sadd.s32 s2, s4;
	[dreg:$0x0] =	wrdreg $0x0  }
0xa8: {  	s4 =	sshll.u32 s28, $0x1;
	[dreg:$0x2] =	wrdreg s2  }
0xa9: {  	[dreg:$0x3] =	wrdreg s4  }
0xaa: {  	[dreg:$0x4] =	wrdreg $0xC0  }
0xab: {  	_ =	task [dreg:s6], $0x5FFFF  }
0xac: {  	[dreg:$0x1] =	wrdreg $0xFFFFFFFF  }
0xad: {  	[dreg:$0x0] =	wrdreg $0x60  }
0xae: {  	[dreg:$0x2] =	wrdreg s24  }
0xaf: {  	[dreg:$0x3] =	wrdreg $0x29000  }
0xb0: {  	[dreg:$0x4] =	wrdreg $0x9  }
0xb1: {  	_ =	task.clear_ibuf [dreg:s6], $0x5FFFF;
	_ =	strace $0x90000049  }
0xb2: {  	s29 =	simm.s32 $0x9;
	_ =	strace $0x8000004B  }
0xb3: {  	_ =	swait.ge [sflag:s29], $0x1  }
0xb4: {  	[sflag:s29] =	ssyncadd.s32 $0xFFFFFFFF  }
0xb5: {  	_ =	strace $0x9000004B  }
0xb6: {  	_ =	sfence  }
0xb7: {  	s30 =	sld [smem:$0x0];
	_ =	sdelay $0x2  }
0xb8: {  	s31 =	sshll.u32 s1, $0xD;
	s1 =	sshrl.u32 s1, $0x2  }
0xb9: {  	s3 =	sand.u32 $0x4000, s31;
	s1 =	sadd.s32 s1, s30  }
0xba: {  	s0 =	sor.u32 s3, s0;
	s1 =	sshll.u32 s1, $0x11  }
0xbb: {  	s0 =	sor.u32 s1, s0  }
0xbc: {  	s0 =	sadd.s32 $0x8F2B, s0  }
0xbd: {  	[sflag:s0] =	ssyncadd.remote.s32 $0x1  }
0xbe: {  	_ =	sfence.sel $0xFFFF  }
0xbf: {  	[dreg:$0x0] =	wrdreg $0xFFFFFFFF;
	(pc) =	sbr.abs _section_cstart, $3  }
0xc0: {  	[dreg:$0x1] =	wrdreg $0xFFFFFFFF  }
0xc1: {  	_ =	task.clear_ibuf [dreg:s6], $0x2FFFF;
	_ =	strace $0x9FFFFFFF  }
0xc2: {  	(tm) =	ssettm $0x7FFFFFFF  }
0xc3: {  	_ =	shalt  }
tec
execute0_lowered:
.L_overlay_start_1:
0x0: {  	(tag) =	ssettag $0x1  }
0x1: {  	s5 =	rddreg [dreg:$0x0]  }
0x2: {  	s1 =	rddreg [dreg:$0x1]  }
0x3: {  	s2 =	srdreg.scid;
	s0 =	rddreg [dreg:$0x2];
	s3 =	simm.s32 $0x0  }
0x4: {  	s13 =	simm.s32 $0x80;
	s14 =	simm.s32 $0x50;
	s6 =	sand.u32 $0x1, s2  }
0x5: {  	s15 =	simm.s32 $0x100;
	s2 =	stileid.u32;
	s7 =	smul.u32 $0x4E200, s6  }
0x6: {  	s16 =	simm.s32 $0x1;
	s17 =	simm.s32 $0x0;
	s8 =	smul.u32 $0x4E20, s2  }
0x7: {  	[smem:$0x7FF] =	sst s3;
	s4 =	sshll.u32 s6, $0x4;
	s9 =	smul.u32 $0x2800, s2  }
0x8: {  	_ =	strace $0x8000004A;
	s6 =	ssub.s32 $0x2, s6;
	s26 =	smul.u32 $0x50000, s2  }
0x9: {  	s31 =	sshll.u32 s2, $0x6;
	s10 =	sor.u32 s2, s4;
	s4 =	sadd.s32 $0xB6600, s5  }
0xa: {  	s29 =	sshrl.u32 s6, $0x1;
	s7 =	sadd.s32 s8, s7;
	s25 =	smul.u32 $0x2800, s10  }
0xb: {  	s28 =	sadd.s32 s9, s5;
	s9 =	ssub.s32 s6, s29;
	s30 =	sshrl.u32 s26, $0x2  }
0xc: {  	s6 =	sor.u32 $0x1C02, s31;
	s7 =	sshrl.u32 s7, $0x3;
	s12 =	sadd.s32 s30, s1  }
0xd: {  	s11 =	sadd.s32 s7, s5;
	s8 =	sadd.s32 s25, s5;
	s5 =	sadd.s32 $0x16800, s28  }
0xe: {  	s7 =	sadd.s32 $0x3E800, s8;
	s8 =	smax.u32 s9, $0x1;
	s9 =	sadd.s32 $0xA2C00, s11  }
0xf: {  	s10 =	sadd.s32 $0x8F200, s11;
	s11 =	sshrl.u32 s12, $0x3;
	s12 =	simm.s32 $0x2  }
.LBB2_1:
0x10: {  	[spmem:s11], [sflag:s6] =	dma.local [hbm:s5], $0x2800  }
0x11: {  	_ =	swait.ge [sflag:s12], $0x2800  }
0x12: {  	[sflag:s12] =	ssyncset.done $0x0  }
0x13: {  	[sflag:s12] =	ssyncadd.s32 $0xFFFFD800  }
0x14: {  	s18 =	sadd.s32 $0x0, s10;
	[bflag:$0x0] =	sbarrier.arrive $0xFFFF  }
0x15: {  	[tilespmem:s3], [sflag:$0x2] =	stream.linear.gather [hbm4b:s18+s3], $0x50, $0x38;
	[tilespmem:$0x16900] =	vst v63  }
0x16: {  	_ =	swait.ge [sflag:s12], $0x50  }
0x17: {  	[sflag:s12] =	ssyncset.done $0x0  }
0x18: {  	s31 =	sadd.s32 $0x0, s9;
	[sflag:s12] =	ssyncadd.s32 $0xFFFFFFB0  }
0x19: {  	[tilespmem:s13], [sflag:$0x2] =	stream.linear.gather [hbm4b:s31+s3], $0x50, $0x38;
	[tilespmem:$0x16900] =	vst v63  }
0x1a: {  	_ =	swait.ge [sflag:s12], $0x50  }
0x1b: {  	[sflag:s12] =	ssyncset.done $0x0  }
0x1c: {  	[sflag:s12] =	ssyncadd.s32 $0xFFFFFFB0  }
0x1d: {  	[tilespmem:s15], [sflag:$0x1] =	stream.indirect.gather [hbm4b:s4+s14], $0x80, s3, s14, $0xb8;
	[tilespmem:$0x16900] =	vst v63  }
0x1e: {  	_ =	swait.ge [sflag:s16], $0x2800  }
0x1f: {  	[sflag:s16] =	ssyncset.done $0x0  }
0x20: {  	[sflag:s16] =	ssyncadd.s32 $0xFFFFD800  }
0x21: {  	[spmem:s1] =	stream.indirect.scatter.add.f32 [tilespmem:s15], [sflag:$0x2], $0x80, s13, s14, $0xb8;
	[tilespmem:$0x16900] =	vst v63  }
0x22: {  	_ =	swait.ge [sflag:s12], $0x2800  }
0x23: {  	s19 =	simm.s32 $0x14;
	s18 =	simm.s32 $0xA;
	[sflag:s12] =	ssyncset.done $0x0  }
.LBB2_2:
0x24: {  	s20 =	sadd.s32 s18, s10  }
0x25: {  	[sflag:s12] =	ssyncadd.s32 $0xFFFFD800;
	s21 =	smov.u32 s19;
	s22 =	sadd.s32 $0xA, s19  }
0x26: {  	[tilespmem:s3], [sflag:$0x2] =	stream.linear.gather [hbm4b:s20+s3], $0x50, $0x38;
	[tilespmem:$0x16900] =	vst v63  }
0x27: {  	p0 =	sne.s32 s19, $0x9BA;
	_ =	swait.ge [sflag:s12], $0x50  }
0x28: {  	[sflag:s12] =	ssyncset.done $0x0  }
0x29: {  	s19 =	sadd.s32 s18, s9;
	s18 =	smov.u32 s21;
	[sflag:s12] =	ssyncadd.s32 $0xFFFFFFB0  }
0x2a: {  	[tilespmem:s13], [sflag:$0x2] =	stream.linear.gather [hbm4b:s19+s3], $0x50, $0x38;
	[tilespmem:$0x16900] =	vst v63  }
0x2b: {  	_ =	swait.ge [sflag:s12], $0x50  }
0x2c: {  	[sflag:s12] =	ssyncset.done $0x0  }
0x2d: {  	[sflag:s12] =	ssyncadd.s32 $0xFFFFFFB0  }
0x2e: {  	[tilespmem:s15], [sflag:$0x1] =	stream.indirect.gather [hbm4b:s4+s14], $0x80, s3, s14, $0xb8;
	[tilespmem:$0x16900] =	vst v63  }
0x2f: {  	_ =	swait.ge [sflag:s16], $0x2800  }
.Ltmp0:
0x30: {  	[sflag:s16] =	ssyncset.done $0x0;
	(pc) =	sbr.rel @p0 .LBB2_2-.Ltmp0, $4  }
0x31: {  	[sflag:s16] =	ssyncadd.s32 $0xFFFFD800  }
0x32: {  	[spmem:s1] =	stream.indirect.scatter.add.f32 [tilespmem:s15], [sflag:$0x2], $0x80, s13, s14, $0xb8;
	[tilespmem:$0x16900] =	vst v63  }
0x33: {  	_ =	swait.ge [sflag:s12], $0x2800  }
0x34: {  	s19 =	smov.u32 s22;
	[sflag:s12] =	ssyncset.done $0x0  }
0x35: {  	s19 =	sadd.s32 s18, s10;
	[sflag:s12] =	ssyncadd.s32 $0xFFFFD800  }
0x36: {  	[tilespmem:s3], [sflag:$0x2] =	stream.linear.gather [hbm4b:s19+s3], $0x50, $0x38;
	[tilespmem:$0x16900] =	vst v63  }
0x37: {  	_ =	swait.ge [sflag:s12], $0x50  }
0x38: {  	[sflag:s12] =	ssyncset.done $0x0  }
0x39: {  	s31 =	sadd.s32 s18, s9;
	[sflag:s12] =	ssyncadd.s32 $0xFFFFFFB0  }
0x3a: {  	[tilespmem:s13], [sflag:$0x2] =	stream.linear.gather [hbm4b:s31+s3], $0x50, $0x38;
	[tilespmem:$0x16900] =	vst v63  }
0x3b: {  	_ =	swait.ge [sflag:s12], $0x50  }
0x3c: {  	[sflag:s12] =	ssyncset.done $0x0  }
0x3d: {  	[sflag:s12] =	ssyncadd.s32 $0xFFFFFFB0  }
0x3e: {  	[tilespmem:s15], [sflag:$0x1] =	stream.indirect.gather [hbm4b:s4+s14], $0x80, s3, s14, $0xb8;
	[tilespmem:$0x16900] =	vst v63  }
0x3f: {  	_ =	swait.ge [sflag:s16], $0x2800  }
0x40: {  	[sflag:s16] =	ssyncset.done $0x0  }
0x41: {  	[sflag:s16] =	ssyncadd.s32 $0xFFFFD800  }
0x42: {  	[spmem:s1] =	stream.indirect.scatter.add.f32 [tilespmem:s15], [sflag:$0x2], $0x80, s13, s14, $0xb8;
	[tilespmem:$0x16900] =	vst v63  }
0x43: {  	_ =	swait.ge [sflag:s12], $0x2800  }
0x44: {  	s17 =	sadd.s32 $0x1, s17;
	[sflag:s12] =	ssyncset.done $0x0  }
0x45: {  	p0 =	sne.s32 s17, s8;
	[sflag:s12] =	ssyncadd.s32 $0xFFFFD800  }
.Ltmp1:
0x46: {  	[bflag:$0x0] =	sbarrier.arrive $0xFFFF;
	(pc) =	sbr.rel @p0 .LBB2_1-.Ltmp1, $4  }
0x47: {  	[hbm:s7], [sflag:s6] =	dma.local [spmem:s11], $0x2800  }
0x48: {  	_ =	swait.ge [sflag:s12], $0x2800  }
0x49: {  	[sflag:s12] =	ssyncset.done $0x0  }
0x4a: {  	[sflag:s12] =	ssyncadd.s32 $0xFFFFD800  }
0x4b: {  	_ =	sfence.sel $0x180000  }
0x4c: {  	[bflag:$0x0] =	sbarrier.arrive $0xFFFF  }
0x4d: {  	p0 =	sne.s32 s2, $0x0;
	_ =	strace $0x9000004A  }
0x4e: {  	s0 =	sadd.s32 @!p0 $0x100000, s0;
	[bflag:$0x2] =	sbarrier.arrive $0xFFFF  }
0x4f: {  	[sflag:s0] =	ssyncadd.tile.s32 @!p0 $0x1;
	_ =	shalt  }
.Lfunc_end2:
_tile_overlayer_lowered:
.L_overlay_start_2:
0x50: {  	(tag) =	ssettag $0x2  }
0x51: {  	s0 =	rddreg [dreg:$0x0];
	s2 =	stileid.u32  }
0x52: {  	s1 =	rddreg [dreg:$0x1];
	p0 =	sne.s32 s2, $0x0  }
0x53: {  	s3 =	rddreg [dreg:$0x2];
	[bflag:$0x3] =	sbarrier.arrive $0xFFFF;
	s2 =	simm.s32 @!p0 $0x1C02  }
0x54: {  	[timem:s3], [sflag:s2] =	dma.local @!p0 [hbm:s0], s1  }
0x55: {  	s0 =	simm.s32 @!p0 $0x2  }
0x56: {  	_ =	swait.ge @!p0 [sflag:s0], s1  }
0x57: {  	s1 =	ssub.s32 @!p0 $0x0, s1;
	[sflag:s0] =	ssyncset.done @!p0 $0x0  }
0x58: {  	[sflag:s0] =	ssyncadd.s32 @!p0 s1  }
0x59: {  	[bflag:$0x3] =	sbarrier.arrive $0xFFFF  }
0x5a: {  	_ =	shalt  }

</sc_bundles>
